<compile_context>
chip_gen: v7x
topology: tpu7x:2x2x1
jax: 0.10.2.dev20260603
libtpu: 0.0.44.dev20260713+nightly
codegen_flags: <defaults>
</compile_context>

<pallas_src>
import functools

import jax
import jax.numpy as jnp
from jax import lax
from jax.experimental import pallas as pl
from jax.experimental.pallas import tpu as pltpu
from jax.experimental.pallas import tpu_sc as plsc

_N = 10000
_E = 320000
_D = 128
_W1 = 144
_W2 = 152
_NC = 2
_NS = 16
_NW = _NC * _NS
_EPW = _E // _NW
_CH = 80
_NCH = _EPW // _CH
_NP = 10000
_RPS = _NP // _NS

_OUTS = (100, 30, 15)
_OFFS = (0, 100, 130, 145)


def _make_segsum(width):
    mesh = plsc.VectorSubcoreMesh(core_axis_name="c", subcore_axis_name="s",
                                  num_cores=_NC, num_subcores=_NS)

    @functools.partial(
        pl.kernel,
        out_type=jax.ShapeDtypeStruct((_NC, _NP, width), jnp.float32),
        mesh=mesh,
        scratch_types=[
            pltpu.VMEM((_NCH, _CH), jnp.int32),
            pltpu.VMEM((_NCH, _CH), jnp.int32),
            pltpu.VMEM((_CH, width), jnp.float32),
            pltpu.VMEM_SHARED((_NP, width), jnp.float32),
            pltpu.SemaphoreType.DMA,
        ],
        compiler_params=pltpu.CompilerParams(use_tc_tiling_on_sc=False),
    )
    def segsum(table_hbm, src_hbm, dst_hbm, zeros_hbm, out_hbm,
               src_v, dst_v, rows_v, accum, sem):
        c = lax.axis_index("c")
        s = lax.axis_index("s")
        wid = c * _NS + s
        pltpu.sync_copy(zeros_hbm.at[pl.ds(s * _RPS, _RPS)],
                        accum.at[pl.ds(s * _RPS, _RPS)])
        pltpu.sync_copy(src_hbm.at[wid], src_v)
        pltpu.sync_copy(dst_hbm.at[wid], dst_v)
        plsc.subcore_barrier()

        def body(j, carry):
            pltpu.async_copy(table_hbm.at[src_v.at[j]], rows_v, sem).wait()
            pltpu.sync_copy(rows_v, accum.at[dst_v.at[j]], add=True)
            return carry

        lax.fori_loop(0, _NCH, body, 0)
        plsc.subcore_barrier()
        pltpu.sync_copy(accum.at[pl.ds(s * _RPS, _RPS)],
                        out_hbm.at[c, pl.ds(s * _RPS, _RPS)])

    return segsum


_segsum_x = _make_segsum(_W1)
_segsum_g = _make_segsum(_W2)

_BLK = 1000
_GRID = _N // _BLK


def _dense1_body(agg_ref, x_ref, w1_ref, wr1_ref, b1_ref, w2_ref, wr2_ref,
                 g_ref, r_ref, inv_ref):
    agg = agg_ref[0] + agg_ref[1]
    cnt = agg[:, _D:_D + 1]
    inv = 1.0 / jnp.maximum(cnt, 1.0)
    mean = agg[:, :_D] * inv
    pre = (jnp.dot(mean, w1_ref[...], preferred_element_type=jnp.float32)
           + jnp.dot(x_ref[...], wr1_ref[...], preferred_element_type=jnp.float32)
           + b1_ref[...])
    h = jnp.maximum(pre, 0.0)
    g_ref[...] = jnp.dot(h, w2_ref[...], preferred_element_type=jnp.float32)
    r_ref[...] = jnp.dot(h, wr2_ref[...], preferred_element_type=jnp.float32)
    inv_ref[...] = inv


def _dense2_body(agg_ref, r_ref, inv_ref, b2_ref,
                 oa_ref, os_ref, og_ref):
    ag = agg_ref[0] + agg_ref[1]
    inv = inv_ref[...]
    o = ag * inv + r_ref[...] + b2_ref[...]
    lane = lax.broadcasted_iota(jnp.int32, o.shape, 1)
    neg = jnp.float32(-1e30)
    logden = jnp.zeros_like(o)
    mx = jnp.zeros_like(o)
    for i in range(3):
        m = (lane >= _OFFS[i]) & (lane < _OFFS[i + 1])
        mh = jnp.max(jnp.where(m, o, neg), axis=1, keepdims=True)
        mx = jnp.where(m, mh, mx)
        sh = jnp.sum(jnp.where(m, jnp.exp(o - mh), 0.0), axis=1, keepdims=True)
        logden = jnp.where(m, jnp.log(sh), logden)
    out = o - mx - logden
    oa_ref[...] = out[:, 0:100]
    os_ref[...] = out[:, 100:130]
    og_ref[...] = out[:, 130:145]


def _bcast_spec(shape):
    nd = len(shape)
    return pl.BlockSpec(shape, lambda i, _nd=nd: (0,) * _nd)


def _dense1(agg1, x, w1, wr1, b1, w2, wr2):
    return pl.pallas_call(
        _dense1_body,
        grid=(_GRID,),
        in_specs=[
            pl.BlockSpec((_NC, _BLK, _W1), lambda i: (0, i, 0)),
            pl.BlockSpec((_BLK, _D), lambda i: (i, 0)),
            _bcast_spec((_D, 384)),
            _bcast_spec((_D, 384)),
            _bcast_spec((1, 384)),
            _bcast_spec((384, _W2)),
            _bcast_spec((384, _W2)),
        ],
        out_specs=[
            pl.BlockSpec((_BLK, _W2), lambda i: (i, 0)),
            pl.BlockSpec((_BLK, _W2), lambda i: (i, 0)),
            pl.BlockSpec((_BLK, 1), lambda i: (i, 0)),
        ],
        out_shape=[
            jax.ShapeDtypeStruct((_N, _W2), jnp.float32),
            jax.ShapeDtypeStruct((_N, _W2), jnp.float32),
            jax.ShapeDtypeStruct((_N, 1), jnp.float32),
        ],
    )(agg1, x, w1, wr1, b1, w2, wr2)


def _dense2(agg2, r, inv, b2):
    return pl.pallas_call(
        _dense2_body,
        grid=(_GRID,),
        in_specs=[
            pl.BlockSpec((_NC, _BLK, _W2), lambda i: (0, i, 0)),
            pl.BlockSpec((_BLK, _W2), lambda i: (i, 0)),
            pl.BlockSpec((_BLK, 1), lambda i: (i, 0)),
            _bcast_spec((1, _W2)),
        ],
        out_specs=[
            pl.BlockSpec((_BLK, 100), lambda i: (i, 0)),
            pl.BlockSpec((_BLK, 30), lambda i: (i, 0)),
            pl.BlockSpec((_BLK, 15), lambda i: (i, 0)),
        ],
        out_shape=[
            jax.ShapeDtypeStruct((_N, 100), jnp.float32),
            jax.ShapeDtypeStruct((_N, 30), jnp.float32),
            jax.ShapeDtypeStruct((_N, 15), jnp.float32),
        ],
    )(agg2, r, inv, b2)


def kernel(x, edge_index,
           Wl1_artist, Wr1_artist, b1_artist, Wl2_artist, Wr2_artist, b2_artist,
           Wl1_style, Wr1_style, b1_style, Wl2_style, Wr2_style, b2_style,
           Wl1_genre, Wr1_genre, b1_genre, Wl2_genre, Wr2_genre, b2_genre):
    src = edge_index[0].reshape(_NW, _NCH, _CH)
    dst = edge_index[1].reshape(_NW, _NCH, _CH)
    x_pad = jnp.concatenate(
        [x, jnp.ones((_N, 1), jnp.float32), jnp.zeros((_N, _W1 - _D - 1), jnp.float32)],
        axis=1)

    w1 = jnp.concatenate([Wl1_artist.T, Wl1_style.T, Wl1_genre.T], axis=1)
    wr1 = jnp.concatenate([Wr1_artist.T, Wr1_style.T, Wr1_genre.T], axis=1)
    b1 = jnp.concatenate([b1_artist, b1_style, b1_genre]).reshape(1, 384)

    def blockdiag(wa, ws, wg):
        z = jnp.zeros((384, _W2), jnp.float32)
        z = z.at[0:_D, 0:100].set(wa.T)
        z = z.at[_D:2 * _D, 100:130].set(ws.T)
        z = z.at[2 * _D:3 * _D, 130:145].set(wg.T)
        return z

    w2 = blockdiag(Wl2_artist, Wl2_style, Wl2_genre)
    wr2 = blockdiag(Wr2_artist, Wr2_style, Wr2_genre)
    b2 = jnp.zeros((1, _W2), jnp.float32)
    b2 = b2.at[0, 0:100].set(b2_artist)
    b2 = b2.at[0, 100:130].set(b2_style)
    b2 = b2.at[0, 130:145].set(b2_genre)

    agg1 = _segsum_x(x_pad, src, dst, jnp.zeros((_NP, _W1), jnp.float32))
    g, r, inv = _dense1(agg1, x, w1, wr1, b1, w2, wr2)
    agg2 = _segsum_g(g, src, dst, jnp.zeros((_NP, _W2), jnp.float32))
    out_a, out_s, out_g = _dense2(agg2, r, inv, b2)
    return (out_a, out_s, out_g)

# --- scband reference (transcript-rebuilt; emitter-appended) ---
"""Pipeline reference for scband-mgnn-23656679866486 (READ-ONLY COPY).

The authoritative reference and input builder live on the scoring server;
editing this copy changes nothing except your own understanding.
"""

import jax, jax.numpy as jnp
import numpy as np

N = 10000
E = 320000
D = 128
H = 128
OUTS = {"artist": 100, "style": 30, "genre": 15}


def _init(key, shape, fan_in):
    return (jax.random.normal(key, shape, dtype=jnp.float32) / np.sqrt(fan_in)).astype(jnp.float32)


def setup_inputs(seed: int = 0):
    key = jax.random.key(seed)
    ks = jax.random.split(key, 64)
    inp = {}
    inp["x"] = jax.random.normal(ks[0], (N, D), dtype=jnp.float32)
    inp["edge_index"] = jax.random.randint(ks[1], (2, E), 0, N, dtype=jnp.int32)
    i = 2
    for head, O in OUTS.items():
        inp["Wl1_" + head] = _init(ks[i], (H, D), D); i += 1
        inp["Wr1_" + head] = _init(ks[i], (H, D), D); i += 1
        inp["b1_" + head] = jnp.zeros((H,), dtype=jnp.float32)
        inp["Wl2_" + head] = _init(ks[i], (O, H), H); i += 1
        inp["Wr2_" + head] = _init(ks[i], (O, H), H); i += 1
        inp["b2_" + head] = jnp.zeros((O,), dtype=jnp.float32)
    return inp


def _sage(x, src, dst, Wl, Wr, b):
    # PyG SAGEConv: mean-aggregate neighbor (source) features to destination,
    # then lin_l(aggr) + lin_r(x_root); bias lives in lin_l.
    s = jax.ops.segment_sum(x[src], dst, num_segments=N)
    cnt = jax.ops.segment_sum(jnp.ones((src.shape[0],), jnp.float32), dst, num_segments=N)
    mean = s / jnp.clip(cnt, 1.0)[:, None]
    return mean @ Wl.T + b + x @ Wr.T


def _gnn(x, src, dst, Wl1, Wr1, b1, Wl2, Wr2, b2):
    h = jax.nn.relu(_sage(x, src, dst, Wl1, Wr1, b1))
    # F.dropout(x, 0.5) omitted for deterministic eval-mode reference
    o = _sage(h, src, dst, Wl2, Wr2, b2)
    return jax.nn.log_softmax(o, axis=1)


def reference(x, edge_index, Wl1_artist, Wr1_artist, b1_artist, Wl2_artist, Wr2_artist, b2_artist, Wl1_style, Wr1_style, b1_style, Wl2_style, Wr2_style, b2_style, Wl1_genre, Wr1_genre, b1_genre, Wl2_genre, Wr2_genre, b2_genre):
    src, dst = edge_index[0], edge_index[1]
    out_a = _gnn(x, src, dst, Wl1_artist, Wr1_artist, b1_artist, Wl2_artist, Wr2_artist, b2_artist)
    out_s = _gnn(x, src, dst, Wl1_style, Wr1_style, b1_style, Wl2_style, Wr2_style, b2_style)
    out_g = _gnn(x, src, dst, Wl1_genre, Wr1_genre, b1_genre, Wl2_genre, Wr2_genre, b2_genre)
    return (out_a, out_s, out_g)

if __name__ == "__main__":
    import jax
    _d = setup_inputs()
    print(jax.jit(kernel)(*tuple(_d.values())))

</pallas_src>

<mosaic_0001>
#map = affine_map<(d0, d1) -> (0, 0)>
#map1 = affine_map<(d0, d1) -> (0, 0, 0)>
module attributes {stable_mosaic.version = 14 : i64} {
  func.func @segsum(%arg0: i32, %arg1: i32, %arg2: memref<10000x144xf32, #tpu.memory_space<hbm>>, %arg3: memref<32x125x80xi32, #tpu.memory_space<hbm>>, %arg4: memref<32x125x80xi32, #tpu.memory_space<hbm>>, %arg5: memref<10000x144xf32, #tpu.memory_space<hbm>>, %arg6: memref<2x10000x144xf32, #tpu.memory_space<hbm>>, %arg7: memref<125x80xi32, #tpu.memory_space<vmem>>, %arg8: memref<125x80xi32, #tpu.memory_space<vmem>>, %arg9: memref<80x144xf32, #tpu.memory_space<vmem>>, %arg10: memref<10000x144xf32, #tpu.memory_space<vmem_shared>>, %arg11: memref<!tpu.dma_semaphore, #tpu.memory_space<semaphore_mem>>) attributes {dimension_semantics = [#tpu.dimension_semantics<core_parallel>, #tpu.dimension_semantics<subcore_parallel>], iteration_bounds = array<i64: 2, 16>, scalar_prefetch = 0 : i64, scratch_operands = 5 : i64, tpu.core_type = #tpu.core_type<sc_vector_subcore>, window_params = [{transform_indices = #map}, {transform_indices = #map1}, {transform_indices = #map1}, {transform_indices = #map}, {transform_indices = #map1}]} {
    %mul3A = arith.constant 16 : i32
    %mul3A_0 = arith.muli %arg0, %mul3A : i32
    %add3A = arith.addi %mul3A_0, %arg1 : i32
    %mul3A_1 = arith.constant 625 : i32
    %mul3A_2 = arith.muli %arg1, %mul3A_1 : i32
    %mul3A_3 = arith.constant 625 : i32
    %mul3A_4 = arith.muli %arg1, %mul3A_3 : i32
    "tpu.region"() ({
      %run_scoped3A = tpu.sem_alloc : memref<!tpu.dma_semaphore, #tpu.memory_space<semaphore_mem>>
      %dma_start3A = arith.constant 0 : i32
      %dma_start3A_15 = tpu.memref_slice %arg10[%mul3A_4, %dma_start3A] : memref<10000x144xf32, #tpu.memory_space<vmem_shared>> -> memref<625x144xf32, #tpu.memory_space<vmem_shared>>
      %dma_start3A_16 = arith.constant 0 : i32
      %dma_start3A_17 = tpu.memref_slice %arg5[%mul3A_2, %dma_start3A_16] : memref<10000x144xf32, #tpu.memory_space<hbm>> -> memref<625x144xf32, #tpu.memory_space<hbm>>
      tpu.enqueue_dma source(%dma_start3A_17 : memref<625x144xf32, #tpu.memory_space<hbm>>) target(%dma_start3A_15 : memref<625x144xf32, #tpu.memory_space<vmem_shared>>) target_semaphore(%run_scoped3A : memref<!tpu.dma_semaphore, #tpu.memory_space<semaphore_mem>>)
      %dma_wait3A = arith.constant 0 : i32
      %dma_wait3A_18 = tpu.memref_slice %arg10[%mul3A_4, %dma_wait3A] : memref<10000x144xf32, #tpu.memory_space<vmem_shared>> -> memref<625x144xf32, #tpu.memory_space<vmem_shared>>
      %dma_wait3A_19 = arith.constant 0 : i32
      %dma_wait3A_20 = tpu.memref_slice %arg5[%mul3A_2, %dma_wait3A_19] : memref<10000x144xf32, #tpu.memory_space<hbm>> -> memref<625x144xf32, #tpu.memory_space<hbm>>
      tpu.wait_dma2 semaphore(%run_scoped3A : memref<!tpu.dma_semaphore, #tpu.memory_space<semaphore_mem>>) src(%dma_wait3A_20 : memref<625x144xf32, #tpu.memory_space<hbm>>) dst(%dma_wait3A_18 : memref<625x144xf32, #tpu.memory_space<vmem_shared>>)
      tpu.yield
    }) : () -> ()
    "tpu.region"() ({
      %run_scoped3A = tpu.sem_alloc : memref<!tpu.dma_semaphore, #tpu.memory_space<semaphore_mem>>
      %dma_start3A = arith.constant 0 : i32
      %dma_start3A_15 = arith.constant 0 : i32
      %dma_start3A_16 = tpu.memref_slice %arg3[%add3A, %dma_start3A, %dma_start3A_15] : memref<32x125x80xi32, #tpu.memory_space<hbm>> -> memref<1x125x80xi32, #tpu.memory_space<hbm>>
      %dma_start3A_17 = tpu.memref_squeeze %dma_start3A_16 : memref<1x125x80xi32, #tpu.memory_space<hbm>> -> memref<125x80xi32, #tpu.memory_space<hbm>>
      %dma_start3A_18 = arith.constant 0 : i32
      %dma_start3A_19 = arith.constant 0 : i32
      %dma_start3A_20 = tpu.memref_slice %arg3[%add3A, %dma_start3A_18, %dma_start3A_19] : memref<32x125x80xi32, #tpu.memory_space<hbm>> -> memref<1x125x80xi32, #tpu.memory_space<hbm>>
      %dma_start3A_21 = tpu.memref_squeeze %dma_start3A_20 : memref<1x125x80xi32, #tpu.memory_space<hbm>> -> memref<125x80xi32, #tpu.memory_space<hbm>>
      tpu.enqueue_dma source(%dma_start3A_21 : memref<125x80xi32, #tpu.memory_space<hbm>>) target(%arg7 : memref<125x80xi32, #tpu.memory_space<vmem>>) target_semaphore(%run_scoped3A : memref<!tpu.dma_semaphore, #tpu.memory_space<semaphore_mem>>)
      %dma_wait3A = arith.constant 0 : i32
      %dma_wait3A_22 = arith.constant 0 : i32
      %dma_wait3A_23 = tpu.memref_slice %arg3[%add3A, %dma_wait3A, %dma_wait3A_22] : memref<32x125x80xi32, #tpu.memory_space<hbm>> -> memref<1x125x80xi32, #tpu.memory_space<hbm>>
      %dma_wait3A_24 = tpu.memref_squeeze %dma_wait3A_23 : memref<1x125x80xi32, #tpu.memory_space<hbm>> -> memref<125x80xi32, #tpu.memory_space<hbm>>
      %dma_wait3A_25 = arith.constant 0 : i32
      %dma_wait3A_26 = arith.constant 0 : i32
      %dma_wait3A_27 = tpu.memref_slice %arg3[%add3A, %dma_wait3A_25, %dma_wait3A_26] : memref<32x125x80xi32, #tpu.memory_space<hbm>> -> memref<1x125x80xi32, #tpu.memory_space<hbm>>
      %dma_wait3A_28 = tpu.memref_squeeze %dma_wait3A_27 : memref<1x125x80xi32, #tpu.memory_space<hbm>> -> memref<125x80xi32, #tpu.memory_space<hbm>>
      tpu.wait_dma2 semaphore(%run_scoped3A : memref<!tpu.dma_semaphore, #tpu.memory_space<semaphore_mem>>) src(%dma_wait3A_28 : memref<125x80xi32, #tpu.memory_space<hbm>>) dst(%arg7 : memref<125x80xi32, #tpu.memory_space<vmem>>)
      tpu.yield
    }) : () -> ()
    "tpu.region"() ({
      %run_scoped3A = tpu.sem_alloc : memref<!tpu.dma_semaphore, #tpu.memory_space<semaphore_mem>>
      %dma_start3A = arith.constant 0 : i32
      %dma_start3A_15 = arith.constant 0 : i32
      %dma_start3A_16 = tpu.memref_slice %arg4[%add3A, %dma_start3A, %dma_start3A_15] : memref<32x125x80xi32, #tpu.memory_space<hbm>> -> memref<1x125x80xi32, #tpu.memory_space<hbm>>
      %dma_start3A_17 = tpu.memref_squeeze %dma_start3A_16 : memref<1x125x80xi32, #tpu.memory_space<hbm>> -> memref<125x80xi32, #tpu.memory_space<hbm>>
      %dma_start3A_18 = arith.constant 0 : i32
      %dma_start3A_19 = arith.constant 0 : i32
      %dma_start3A_20 = tpu.memref_slice %arg4[%add3A, %dma_start3A_18, %dma_start3A_19] : memref<32x125x80xi32, #tpu.memory_space<hbm>> -> memref<1x125x80xi32, #tpu.memory_space<hbm>>
      %dma_start3A_21 = tpu.memref_squeeze %dma_start3A_20 : memref<1x125x80xi32, #tpu.memory_space<hbm>> -> memref<125x80xi32, #tpu.memory_space<hbm>>
      tpu.enqueue_dma source(%dma_start3A_21 : memref<125x80xi32, #tpu.memory_space<hbm>>) target(%arg8 : memref<125x80xi32, #tpu.memory_space<vmem>>) target_semaphore(%run_scoped3A : memref<!tpu.dma_semaphore, #tpu.memory_space<semaphore_mem>>)
      %dma_wait3A = arith.constant 0 : i32
      %dma_wait3A_22 = arith.constant 0 : i32
      %dma_wait3A_23 = tpu.memref_slice %arg4[%add3A, %dma_wait3A, %dma_wait3A_22] : memref<32x125x80xi32, #tpu.memory_space<hbm>> -> memref<1x125x80xi32, #tpu.memory_space<hbm>>
      %dma_wait3A_24 = tpu.memref_squeeze %dma_wait3A_23 : memref<1x125x80xi32, #tpu.memory_space<hbm>> -> memref<125x80xi32, #tpu.memory_space<hbm>>
      %dma_wait3A_25 = arith.constant 0 : i32
      %dma_wait3A_26 = arith.constant 0 : i32
      %dma_wait3A_27 = tpu.memref_slice %arg4[%add3A, %dma_wait3A_25, %dma_wait3A_26] : memref<32x125x80xi32, #tpu.memory_space<hbm>> -> memref<1x125x80xi32, #tpu.memory_space<hbm>>
      %dma_wait3A_28 = tpu.memref_squeeze %dma_wait3A_27 : memref<1x125x80xi32, #tpu.memory_space<hbm>> -> memref<125x80xi32, #tpu.memory_space<hbm>>
      tpu.wait_dma2 semaphore(%run_scoped3A : memref<!tpu.dma_semaphore, #tpu.memory_space<semaphore_mem>>) src(%dma_wait3A_28 : memref<125x80xi32, #tpu.memory_space<hbm>>) dst(%arg8 : memref<125x80xi32, #tpu.memory_space<vmem>>)
      tpu.yield
    }) : () -> ()
    %barrier3A = arith.constant 0 : index
    tpu.barrier barrier_id(%barrier3A)
    %scan3A = arith.constant 0 : i32
    %scan3A_5 = arith.constant 0 : i32
    %scan3A_6 = arith.constant 125 : i32
    %scan3A_7 = arith.addi %scan3A_5, %scan3A_6 : i32
    %scan3A_8 = arith.constant 1 : i32
    scf.for %scan3A_15 = %scan3A_5 to %scan3A_7 step %scan3A_8  : i32 {
      %dma_start3A = arith.constant 0 : i32
      %dma_start3A_16 = tpu.memref_slice %arg7[%scan3A_15, %dma_start3A] : memref<125x80xi32, #tpu.memory_space<vmem>> -> memref<1x80xi32, #tpu.memory_space<vmem>>
      %dma_start3A_17 = tpu.memref_squeeze %dma_start3A_16 : memref<1x80xi32, #tpu.memory_space<vmem>> -> memref<80xi32, #tpu.memory_space<vmem>>
      %dma_start3A_18 = arith.constant 0 : i32
      %dma_start3A_19 = arith.constant 0 : i32
      %dma_start3A_20 = tpu.memref_slice %arg2[%dma_start3A_18, %dma_start3A_19] : memref<10000x144xf32, #tpu.memory_space<hbm>> -> memref<10000x144xf32, #tpu.memory_space<hbm>>
      tpu.enqueue_indirect_dma source(%dma_start3A_20 : memref<10000x144xf32, #tpu.memory_space<hbm>>) target(%arg9 : memref<80x144xf32, #tpu.memory_space<vmem>>) offsets(%dma_start3A_17 : memref<80xi32, #tpu.memory_space<vmem>>) semaphore(%arg11 : memref<!tpu.dma_semaphore, #tpu.memory_space<semaphore_mem>>)
      %dma_wait3A = arith.constant 0 : i32
      %dma_wait3A_21 = tpu.memref_slice %arg7[%scan3A_15, %dma_wait3A] : memref<125x80xi32, #tpu.memory_space<vmem>> -> memref<1x80xi32, #tpu.memory_space<vmem>>
      %dma_wait3A_22 = tpu.memref_squeeze %dma_wait3A_21 : memref<1x80xi32, #tpu.memory_space<vmem>> -> memref<80xi32, #tpu.memory_space<vmem>>
      %dma_wait3A_23 = arith.constant 0 : i32
      %dma_wait3A_24 = arith.constant 0 : i32
      %dma_wait3A_25 = tpu.memref_slice %arg2[%dma_wait3A_23, %dma_wait3A_24] : memref<10000x144xf32, #tpu.memory_space<hbm>> -> memref<10000x144xf32, #tpu.memory_space<hbm>>
      tpu.wait_indirect_dma semaphore(%arg11 : memref<!tpu.dma_semaphore, #tpu.memory_space<semaphore_mem>>) src(%dma_wait3A_25 : memref<10000x144xf32, #tpu.memory_space<hbm>>) dst(%arg9 : memref<80x144xf32, #tpu.memory_space<vmem>>)
      "tpu.region"() ({
        %run_scoped3A = tpu.sem_alloc : memref<!tpu.dma_semaphore, #tpu.memory_space<semaphore_mem>>
        %dma_start3A_26 = arith.constant 0 : i32
        %dma_start3A_27 = tpu.memref_slice %arg8[%scan3A_15, %dma_start3A_26] : memref<125x80xi32, #tpu.memory_space<vmem>> -> memref<1x80xi32, #tpu.memory_space<vmem>>
        %dma_start3A_28 = tpu.memref_squeeze %dma_start3A_27 : memref<1x80xi32, #tpu.memory_space<vmem>> -> memref<80xi32, #tpu.memory_space<vmem>>
        %dma_start3A_29 = arith.constant 0 : i32
        %dma_start3A_30 = arith.constant 0 : i32
        %dma_start3A_31 = tpu.memref_slice %arg10[%dma_start3A_29, %dma_start3A_30] : memref<10000x144xf32, #tpu.memory_space<vmem_shared>> -> memref<10000x144xf32, #tpu.memory_space<vmem_shared>>
        tpu.enqueue_indirect_dma source(%arg9 : memref<80x144xf32, #tpu.memory_space<vmem>>) target(%dma_start3A_31 : memref<10000x144xf32, #tpu.memory_space<vmem_shared>>) offsets(%dma_start3A_28 : memref<80xi32, #tpu.memory_space<vmem>>) semaphore(%run_scoped3A : memref<!tpu.dma_semaphore, #tpu.memory_space<semaphore_mem>>) {add = true}
        %dma_wait3A_32 = arith.constant 0 : i32
        %dma_wait3A_33 = tpu.memref_slice %arg8[%scan3A_15, %dma_wait3A_32] : memref<125x80xi32, #tpu.memory_space<vmem>> -> memref<1x80xi32, #tpu.memory_space<vmem>>
        %dma_wait3A_34 = tpu.memref_squeeze %dma_wait3A_33 : memref<1x80xi32, #tpu.memory_space<vmem>> -> memref<80xi32, #tpu.memory_space<vmem>>
        %dma_wait3A_35 = arith.constant 0 : i32
        %dma_wait3A_36 = arith.constant 0 : i32
        %dma_wait3A_37 = tpu.memref_slice %arg10[%dma_wait3A_35, %dma_wait3A_36] : memref<10000x144xf32, #tpu.memory_space<vmem_shared>> -> memref<10000x144xf32, #tpu.memory_space<vmem_shared>>
        tpu.wait_indirect_dma semaphore(%run_scoped3A : memref<!tpu.dma_semaphore, #tpu.memory_space<semaphore_mem>>) src(%arg9 : memref<80x144xf32, #tpu.memory_space<vmem>>) dst(%dma_wait3A_37 : memref<10000x144xf32, #tpu.memory_space<vmem_shared>>)
        tpu.yield
      }) : () -> ()
    }
    %scan3A_9 = arith.constant 125 : i32
    %barrier3A_10 = arith.constant 0 : index
    tpu.barrier barrier_id(%barrier3A_10)
    %mul3A_11 = arith.constant 625 : i32
    %mul3A_12 = arith.muli %arg1, %mul3A_11 : i32
    %mul3A_13 = arith.constant 625 : i32
    %mul3A_14 = arith.muli %arg1, %mul3A_13 : i32
    "tpu.region"() ({
      %run_scoped3A = tpu.sem_alloc : memref<!tpu.dma_semaphore, #tpu.memory_space<semaphore_mem>>
      %dma_start3A = arith.constant 0 : i32
      %dma_start3A_15 = tpu.memref_slice %arg6[%arg0, %mul3A_14, %dma_start3A] : memref<2x10000x144xf32, #tpu.memory_space<hbm>> -> memref<1x625x144xf32, #tpu.memory_space<hbm>>
      %dma_start3A_16 = tpu.memref_squeeze %dma_start3A_15 : memref<1x625x144xf32, #tpu.memory_space<hbm>> -> memref<625x144xf32, #tpu.memory_space<hbm>>
      %dma_start3A_17 = arith.constant 0 : i32
      %dma_start3A_18 = tpu.memref_slice %arg10[%mul3A_12, %dma_start3A_17] : memref<10000x144xf32, #tpu.memory_space<vmem_shared>> -> memref<625x144xf32, #tpu.memory_space<vmem_shared>>
      tpu.enqueue_dma source(%dma_start3A_18 : memref<625x144xf32, #tpu.memory_space<vmem_shared>>) target(%dma_start3A_16 : memref<625x144xf32, #tpu.memory_space<hbm>>) target_semaphore(%run_scoped3A : memref<!tpu.dma_semaphore, #tpu.memory_space<semaphore_mem>>)
      %dma_wait3A = arith.constant 0 : i32
      %dma_wait3A_19 = tpu.memref_slice %arg6[%arg0, %mul3A_14, %dma_wait3A] : memref<2x10000x144xf32, #tpu.memory_space<hbm>> -> memref<1x625x144xf32, #tpu.memory_space<hbm>>
      %dma_wait3A_20 = tpu.memref_squeeze %dma_wait3A_19 : memref<1x625x144xf32, #tpu.memory_space<hbm>> -> memref<625x144xf32, #tpu.memory_space<hbm>>
      %dma_wait3A_21 = arith.constant 0 : i32
      %dma_wait3A_22 = tpu.memref_slice %arg10[%mul3A_12, %dma_wait3A_21] : memref<10000x144xf32, #tpu.memory_space<vmem_shared>> -> memref<625x144xf32, #tpu.memory_space<vmem_shared>>
      tpu.wait_dma2 semaphore(%run_scoped3A : memref<!tpu.dma_semaphore, #tpu.memory_space<semaphore_mem>>) src(%dma_wait3A_22 : memref<625x144xf32, #tpu.memory_space<vmem_shared>>) dst(%dma_wait3A_20 : memref<625x144xf32, #tpu.memory_space<hbm>>)
      tpu.yield
    }) : () -> ()
    return
  }
}

#map = affine_map<(d0, d1) -> (0, 0)>
#map1 = affine_map<(d0, d1) -> (0, 0, 0)>
module attributes {stable_mosaic.version = 14 : i64} {
  func.func @segsum(%arg0: i32, %arg1: i32, %arg2: memref<10000x152xf32, #tpu.memory_space<hbm>>, %arg3: memref<32x125x80xi32, #tpu.memory_space<hbm>>, %arg4: memref<32x125x80xi32, #tpu.memory_space<hbm>>, %arg5: memref<10000x152xf32, #tpu.memory_space<hbm>>, %arg6: memref<2x10000x152xf32, #tpu.memory_space<hbm>>, %arg7: memref<125x80xi32, #tpu.memory_space<vmem>>, %arg8: memref<125x80xi32, #tpu.memory_space<vmem>>, %arg9: memref<80x152xf32, #tpu.memory_space<vmem>>, %arg10: memref<10000x152xf32, #tpu.memory_space<vmem_shared>>, %arg11: memref<!tpu.dma_semaphore, #tpu.memory_space<semaphore_mem>>) attributes {dimension_semantics = [#tpu.dimension_semantics<core_parallel>, #tpu.dimension_semantics<subcore_parallel>], iteration_bounds = array<i64: 2, 16>, scalar_prefetch = 0 : i64, scratch_operands = 5 : i64, tpu.core_type = #tpu.core_type<sc_vector_subcore>, window_params = [{transform_indices = #map}, {transform_indices = #map1}, {transform_indices = #map1}, {transform_indices = #map}, {transform_indices = #map1}]} {
    %mul3A = arith.constant 16 : i32
    %mul3A_0 = arith.muli %arg0, %mul3A : i32
    %add3A = arith.addi %mul3A_0, %arg1 : i32
    %mul3A_1 = arith.constant 625 : i32
    %mul3A_2 = arith.muli %arg1, %mul3A_1 : i32
    %mul3A_3 = arith.constant 625 : i32
    %mul3A_4 = arith.muli %arg1, %mul3A_3 : i32
    "tpu.region"() ({
      %run_scoped3A = tpu.sem_alloc : memref<!tpu.dma_semaphore, #tpu.memory_space<semaphore_mem>>
      %dma_start3A = arith.constant 0 : i32
      %dma_start3A_15 = tpu.memref_slice %arg10[%mul3A_4, %dma_start3A] : memref<10000x152xf32, #tpu.memory_space<vmem_shared>> -> memref<625x152xf32, #tpu.memory_space<vmem_shared>>
      %dma_start3A_16 = arith.constant 0 : i32
      %dma_start3A_17 = tpu.memref_slice %arg5[%mul3A_2, %dma_start3A_16] : memref<10000x152xf32, #tpu.memory_space<hbm>> -> memref<625x152xf32, #tpu.memory_space<hbm>>
      tpu.enqueue_dma source(%dma_start3A_17 : memref<625x152xf32, #tpu.memory_space<hbm>>) target(%dma_start3A_15 : memref<625x152xf32, #tpu.memory_space<vmem_shared>>) target_semaphore(%run_scoped3A : memref<!tpu.dma_semaphore, #tpu.memory_space<semaphore_mem>>)
      %dma_wait3A = arith.constant 0 : i32
      %dma_wait3A_18 = tpu.memref_slice %arg10[%mul3A_4, %dma_wait3A] : memref<10000x152xf32, #tpu.memory_space<vmem_shared>> -> memref<625x152xf32, #tpu.memory_space<vmem_shared>>
      %dma_wait3A_19 = arith.constant 0 : i32
      %dma_wait3A_20 = tpu.memref_slice %arg5[%mul3A_2, %dma_wait3A_19] : memref<10000x152xf32, #tpu.memory_space<hbm>> -> memref<625x152xf32, #tpu.memory_space<hbm>>
      tpu.wait_dma2 semaphore(%run_scoped3A : memref<!tpu.dma_semaphore, #tpu.memory_space<semaphore_mem>>) src(%dma_wait3A_20 : memref<625x152xf32, #tpu.memory_space<hbm>>) dst(%dma_wait3A_18 : memref<625x152xf32, #tpu.memory_space<vmem_shared>>)
      tpu.yield
    }) : () -> ()
    "tpu.region"() ({
      %run_scoped3A = tpu.sem_alloc : memref<!tpu.dma_semaphore, #tpu.memory_space<semaphore_mem>>
      %dma_start3A = arith.constant 0 : i32
      %dma_start3A_15 = arith.constant 0 : i32
      %dma_start3A_16 = tpu.memref_slice %arg3[%add3A, %dma_start3A, %dma_start3A_15] : memref<32x125x80xi32, #tpu.memory_space<hbm>> -> memref<1x125x80xi32, #tpu.memory_space<hbm>>
      %dma_start3A_17 = tpu.memref_squeeze %dma_start3A_16 : memref<1x125x80xi32, #tpu.memory_space<hbm>> -> memref<125x80xi32, #tpu.memory_space<hbm>>
      %dma_start3A_18 = arith.constant 0 : i32
      %dma_start3A_19 = arith.constant 0 : i32
      %dma_start3A_20 = tpu.memref_slice %arg3[%add3A, %dma_start3A_18, %dma_start3A_19] : memref<32x125x80xi32, #tpu.memory_space<hbm>> -> memref<1x125x80xi32, #tpu.memory_space<hbm>>
      %dma_start3A_21 = tpu.memref_squeeze %dma_start3A_20 : memref<1x125x80xi32, #tpu.memory_space<hbm>> -> memref<125x80xi32, #tpu.memory_space<hbm>>
      tpu.enqueue_dma source(%dma_start3A_21 : memref<125x80xi32, #tpu.memory_space<hbm>>) target(%arg7 : memref<125x80xi32, #tpu.memory_space<vmem>>) target_semaphore(%run_scoped3A : memref<!tpu.dma_semaphore, #tpu.memory_space<semaphore_mem>>)
      %dma_wait3A = arith.constant 0 : i32
      %dma_wait3A_22 = arith.constant 0 : i32
      %dma_wait3A_23 = tpu.memref_slice %arg3[%add3A, %dma_wait3A, %dma_wait3A_22] : memref<32x125x80xi32, #tpu.memory_space<hbm>> -> memref<1x125x80xi32, #tpu.memory_space<hbm>>
      %dma_wait3A_24 = tpu.memref_squeeze %dma_wait3A_23 : memref<1x125x80xi32, #tpu.memory_space<hbm>> -> memref<125x80xi32, #tpu.memory_space<hbm>>
      %dma_wait3A_25 = arith.constant 0 : i32
      %dma_wait3A_26 = arith.constant 0 : i32
      %dma_wait3A_27 = tpu.memref_slice %arg3[%add3A, %dma_wait3A_25, %dma_wait3A_26] : memref<32x125x80xi32, #tpu.memory_space<hbm>> -> memref<1x125x80xi32, #tpu.memory_space<hbm>>
      %dma_wait3A_28 = tpu.memref_squeeze %dma_wait3A_27 : memref<1x125x80xi32, #tpu.memory_space<hbm>> -> memref<125x80xi32, #tpu.memory_space<hbm>>
      tpu.wait_dma2 semaphore(%run_scoped3A : memref<!tpu.dma_semaphore, #tpu.memory_space<semaphore_mem>>) src(%dma_wait3A_28 : memref<125x80xi32, #tpu.memory_space<hbm>>) dst(%arg7 : memref<125x80xi32, #tpu.memory_space<vmem>>)
      tpu.yield
    }) : () -> ()
    "tpu.region"() ({
      %run_scoped3A = tpu.sem_alloc : memref<!tpu.dma_semaphore, #tpu.memory_space<semaphore_mem>>
      %dma_start3A = arith.constant 0 : i32
      %dma_start3A_15 = arith.constant 0 : i32
      %dma_start3A_16 = tpu.memref_slice %arg4[%add3A, %dma_start3A, %dma_start3A_15] : memref<32x125x80xi32, #tpu.memory_space<hbm>> -> memref<1x125x80xi32, #tpu.memory_space<hbm>>
      %dma_start3A_17 = tpu.memref_squeeze %dma_start3A_16 : memref<1x125x80xi32, #tpu.memory_space<hbm>> -> memref<125x80xi32, #tpu.memory_space<hbm>>
      %dma_start3A_18 = arith.constant 0 : i32
      %dma_start3A_19 = arith.constant 0 : i32
      %dma_start3A_20 = tpu.memref_slice %arg4[%add3A, %dma_start3A_18, %dma_start3A_19] : memref<32x125x80xi32, #tpu.memory_space<hbm>> -> memref<1x125x80xi32, #tpu.memory_space<hbm>>
      %dma_start3A_21 = tpu.memref_squeeze %dma_start3A_20 : memref<1x125x80xi32, #tpu.memory_space<hbm>> -> memref<125x80xi32, #tpu.memory_space<hbm>>
      tpu.enqueue_dma source(%dma_start3A_21 : memref<125x80xi32, #tpu.memory_space<hbm>>) target(%arg8 : memref<125x80xi32, #tpu.memory_space<vmem>>) target_semaphore(%run_scoped3A : memref<!tpu.dma_semaphore, #tpu.memory_space<semaphore_mem>>)
      %dma_wait3A = arith.constant 0 : i32
      %dma_wait3A_22 = arith.constant 0 : i32
      %dma_wait3A_23 = tpu.memref_slice %arg4[%add3A, %dma_wait3A, %dma_wait3A_22] : memref<32x125x80xi32, #tpu.memory_space<hbm>> -> memref<1x125x80xi32, #tpu.memory_space<hbm>>
      %dma_wait3A_24 = tpu.memref_squeeze %dma_wait3A_23 : memref<1x125x80xi32, #tpu.memory_space<hbm>> -> memref<125x80xi32, #tpu.memory_space<hbm>>
      %dma_wait3A_25 = arith.constant 0 : i32
      %dma_wait3A_26 = arith.constant 0 : i32
      %dma_wait3A_27 = tpu.memref_slice %arg4[%add3A, %dma_wait3A_25, %dma_wait3A_26] : memref<32x125x80xi32, #tpu.memory_space<hbm>> -> memref<1x125x80xi32, #tpu.memory_space<hbm>>
      %dma_wait3A_28 = tpu.memref_squeeze %dma_wait3A_27 : memref<1x125x80xi32, #tpu.memory_space<hbm>> -> memref<125x80xi32, #tpu.memory_space<hbm>>
      tpu.wait_dma2 semaphore(%run_scoped3A : memref<!tpu.dma_semaphore, #tpu.memory_space<semaphore_mem>>) src(%dma_wait3A_28 : memref<125x80xi32, #tpu.memory_space<hbm>>) dst(%arg8 : memref<125x80xi32, #tpu.memory_space<vmem>>)
      tpu.yield
    }) : () -> ()
    %barrier3A = arith.constant 0 : index
    tpu.barrier barrier_id(%barrier3A)
    %scan3A = arith.constant 0 : i32
    %scan3A_5 = arith.constant 0 : i32
    %scan3A_6 = arith.constant 125 : i32
    %scan3A_7 = arith.addi %scan3A_5, %scan3A_6 : i32
    %scan3A_8 = arith.constant 1 : i32
    scf.for %scan3A_15 = %scan3A_5 to %scan3A_7 step %scan3A_8  : i32 {
      %dma_start3A = arith.constant 0 : i32
      %dma_start3A_16 = tpu.memref_slice %arg7[%scan3A_15, %dma_start3A] : memref<125x80xi32, #tpu.memory_space<vmem>> -> memref<1x80xi32, #tpu.memory_space<vmem>>
      %dma_start3A_17 = tpu.memref_squeeze %dma_start3A_16 : memref<1x80xi32, #tpu.memory_space<vmem>> -> memref<80xi32, #tpu.memory_space<vmem>>
      %dma_start3A_18 = arith.constant 0 : i32
      %dma_start3A_19 = arith.constant 0 : i32
      %dma_start3A_20 = tpu.memref_slice %arg2[%dma_start3A_18, %dma_start3A_19] : memref<10000x152xf32, #tpu.memory_space<hbm>> -> memref<10000x152xf32, #tpu.memory_space<hbm>>
      tpu.enqueue_indirect_dma source(%dma_start3A_20 : memref<10000x152xf32, #tpu.memory_space<hbm>>) target(%arg9 : memref<80x152xf32, #tpu.memory_space<vmem>>) offsets(%dma_start3A_17 : memref<80xi32, #tpu.memory_space<vmem>>) semaphore(%arg11 : memref<!tpu.dma_semaphore, #tpu.memory_space<semaphore_mem>>)
      %dma_wait3A = arith.constant 0 : i32
      %dma_wait3A_21 = tpu.memref_slice %arg7[%scan3A_15, %dma_wait3A] : memref<125x80xi32, #tpu.memory_space<vmem>> -> memref<1x80xi32, #tpu.memory_space<vmem>>
      %dma_wait3A_22 = tpu.memref_squeeze %dma_wait3A_21 : memref<1x80xi32, #tpu.memory_space<vmem>> -> memref<80xi32, #tpu.memory_space<vmem>>
      %dma_wait3A_23 = arith.constant 0 : i32
      %dma_wait3A_24 = arith.constant 0 : i32
      %dma_wait3A_25 = tpu.memref_slice %arg2[%dma_wait3A_23, %dma_wait3A_24] : memref<10000x152xf32, #tpu.memory_space<hbm>> -> memref<10000x152xf32, #tpu.memory_space<hbm>>
      tpu.wait_indirect_dma semaphore(%arg11 : memref<!tpu.dma_semaphore, #tpu.memory_space<semaphore_mem>>) src(%dma_wait3A_25 : memref<10000x152xf32, #tpu.memory_space<hbm>>) dst(%arg9 : memref<80x152xf32, #tpu.memory_space<vmem>>)
      "tpu.region"() ({
        %run_scoped3A = tpu.sem_alloc : memref<!tpu.dma_semaphore, #tpu.memory_space<semaphore_mem>>
        %dma_start3A_26 = arith.constant 0 : i32
        %dma_start3A_27 = tpu.memref_slice %arg8[%scan3A_15, %dma_start3A_26] : memref<125x80xi32, #tpu.memory_space<vmem>> -> memref<1x80xi32, #tpu.memory_space<vmem>>
        %dma_start3A_28 = tpu.memref_squeeze %dma_start3A_27 : memref<1x80xi32, #tpu.memory_space<vmem>> -> memref<80xi32, #tpu.memory_space<vmem>>
        %dma_start3A_29 = arith.constant 0 : i32
        %dma_start3A_30 = arith.constant 0 : i32
        %dma_start3A_31 = tpu.memref_slice %arg10[%dma_start3A_29, %dma_start3A_30] : memref<10000x152xf32, #tpu.memory_space<vmem_shared>> -> memref<10000x152xf32, #tpu.memory_space<vmem_shared>>
        tpu.enqueue_indirect_dma source(%arg9 : memref<80x152xf32, #tpu.memory_space<vmem>>) target(%dma_start3A_31 : memref<10000x152xf32, #tpu.memory_space<vmem_shared>>) offsets(%dma_start3A_28 : memref<80xi32, #tpu.memory_space<vmem>>) semaphore(%run_scoped3A : memref<!tpu.dma_semaphore, #tpu.memory_space<semaphore_mem>>) {add = true}
        %dma_wait3A_32 = arith.constant 0 : i32
        %dma_wait3A_33 = tpu.memref_slice %arg8[%scan3A_15, %dma_wait3A_32] : memref<125x80xi32, #tpu.memory_space<vmem>> -> memref<1x80xi32, #tpu.memory_space<vmem>>
        %dma_wait3A_34 = tpu.memref_squeeze %dma_wait3A_33 : memref<1x80xi32, #tpu.memory_space<vmem>> -> memref<80xi32, #tpu.memory_space<vmem>>
        %dma_wait3A_35 = arith.constant 0 : i32
        %dma_wait3A_36 = arith.constant 0 : i32
        %dma_wait3A_37 = tpu.memref_slice %arg10[%dma_wait3A_35, %dma_wait3A_36] : memref<10000x152xf32, #tpu.memory_space<vmem_shared>> -> memref<10000x152xf32, #tpu.memory_space<vmem_shared>>
        tpu.wait_indirect_dma semaphore(%run_scoped3A : memref<!tpu.dma_semaphore, #tpu.memory_space<semaphore_mem>>) src(%arg9 : memref<80x152xf32, #tpu.memory_space<vmem>>) dst(%dma_wait3A_37 : memref<10000x152xf32, #tpu.memory_space<vmem_shared>>)
        tpu.yield
      }) : () -> ()
    }
    %scan3A_9 = arith.constant 125 : i32
    %barrier3A_10 = arith.constant 0 : index
    tpu.barrier barrier_id(%barrier3A_10)
    %mul3A_11 = arith.constant 625 : i32
    %mul3A_12 = arith.muli %arg1, %mul3A_11 : i32
    %mul3A_13 = arith.constant 625 : i32
    %mul3A_14 = arith.muli %arg1, %mul3A_13 : i32
    "tpu.region"() ({
      %run_scoped3A = tpu.sem_alloc : memref<!tpu.dma_semaphore, #tpu.memory_space<semaphore_mem>>
      %dma_start3A = arith.constant 0 : i32
      %dma_start3A_15 = tpu.memref_slice %arg6[%arg0, %mul3A_14, %dma_start3A] : memref<2x10000x152xf32, #tpu.memory_space<hbm>> -> memref<1x625x152xf32, #tpu.memory_space<hbm>>
      %dma_start3A_16 = tpu.memref_squeeze %dma_start3A_15 : memref<1x625x152xf32, #tpu.memory_space<hbm>> -> memref<625x152xf32, #tpu.memory_space<hbm>>
      %dma_start3A_17 = arith.constant 0 : i32
      %dma_start3A_18 = tpu.memref_slice %arg10[%mul3A_12, %dma_start3A_17] : memref<10000x152xf32, #tpu.memory_space<vmem_shared>> -> memref<625x152xf32, #tpu.memory_space<vmem_shared>>
      tpu.enqueue_dma source(%dma_start3A_18 : memref<625x152xf32, #tpu.memory_space<vmem_shared>>) target(%dma_start3A_16 : memref<625x152xf32, #tpu.memory_space<hbm>>) target_semaphore(%run_scoped3A : memref<!tpu.dma_semaphore, #tpu.memory_space<semaphore_mem>>)
      %dma_wait3A = arith.constant 0 : i32
      %dma_wait3A_19 = tpu.memref_slice %arg6[%arg0, %mul3A_14, %dma_wait3A] : memref<2x10000x152xf32, #tpu.memory_space<hbm>> -> memref<1x625x152xf32, #tpu.memory_space<hbm>>
      %dma_wait3A_20 = tpu.memref_squeeze %dma_wait3A_19 : memref<1x625x152xf32, #tpu.memory_space<hbm>> -> memref<625x152xf32, #tpu.memory_space<hbm>>
      %dma_wait3A_21 = arith.constant 0 : i32
      %dma_wait3A_22 = tpu.memref_slice %arg10[%mul3A_12, %dma_wait3A_21] : memref<10000x152xf32, #tpu.memory_space<vmem_shared>> -> memref<625x152xf32, #tpu.memory_space<vmem_shared>>
      tpu.wait_dma2 semaphore(%run_scoped3A : memref<!tpu.dma_semaphore, #tpu.memory_space<semaphore_mem>>) src(%dma_wait3A_22 : memref<625x152xf32, #tpu.memory_space<vmem_shared>>) dst(%dma_wait3A_20 : memref<625x152xf32, #tpu.memory_space<hbm>>)
      tpu.yield
    }) : () -> ()
    return
  }
}

module attributes {stable_mosaic.version = 14 : i64} {
  func.func @_dense1_body(%arg0: i32, %arg1: memref<2x1000x144xf32, #tpu.memory_space<vmem>>, %arg2: memref<1000x128xf32, #tpu.memory_space<vmem>>, %arg3: memref<128x384xf32, #tpu.memory_space<vmem>>, %arg4: memref<128x384xf32, #tpu.memory_space<vmem>>, %arg5: memref<1x384xf32, #tpu.memory_space<vmem>>, %arg6: memref<384x152xf32, #tpu.memory_space<vmem>>, %arg7: memref<384x152xf32, #tpu.memory_space<vmem>>, %arg8: memref<1000x152xf32, #tpu.memory_space<vmem>>, %arg9: memref<1000x152xf32, #tpu.memory_space<vmem>>, %arg10: memref<1000x1xf32, #tpu.memory_space<vmem>>) attributes {dimension_semantics = [#tpu.dimension_semantics<arbitrary>], iteration_bounds = array<i64: 10>, scalar_prefetch = 0 : i64, scratch_operands = 0 : i64, tpu.core_type = #tpu.core_type<tc>, window_params = [{transform_indices = @transform_0, window_bounds = array<i64: 2, 1000, 144>}, {transform_indices = @transform_1, window_bounds = array<i64: 1000, 128>}, {pipeline_mode = #tpu.pipeline_mode<synchronous>, transform_indices = @transform_2, window_bounds = array<i64: 128, 384>}, {pipeline_mode = #tpu.pipeline_mode<synchronous>, transform_indices = @transform_3, window_bounds = array<i64: 128, 384>}, {pipeline_mode = #tpu.pipeline_mode<synchronous>, transform_indices = @transform_4, window_bounds = array<i64: 1, 384>}, {pipeline_mode = #tpu.pipeline_mode<synchronous>, transform_indices = @transform_5, window_bounds = array<i64: 384, 152>}, {pipeline_mode = #tpu.pipeline_mode<synchronous>, transform_indices = @transform_6, window_bounds = array<i64: 384, 152>}, {transform_indices = @transform_7, window_bounds = array<i64: 1000, 152>}, {transform_indices = @transform_8, window_bounds = array<i64: 1000, 152>}, {transform_indices = @transform_9, window_bounds = array<i64: 1000, 1>}]} {
    %get3A = arith.constant 0 : index
    %get3A_0 = arith.constant 0 : index
    %get3A_1 = arith.constant 0 : index
    %get3A_2 = vector.load %arg1[%get3A, %get3A_0, %get3A_1] : memref<2x1000x144xf32, #tpu.memory_space<vmem>>, vector<1x1000x144xf32>
    %get3A_3 = vector.shape_cast %get3A_2 : vector<1x1000x144xf32> to vector<1000x144xf32>
    %get3A_4 = arith.constant 1 : index
    %get3A_5 = arith.constant 0 : index
    %get3A_6 = arith.constant 0 : index
    %get3A_7 = vector.load %arg1[%get3A_4, %get3A_5, %get3A_6] : memref<2x1000x144xf32, #tpu.memory_space<vmem>>, vector<1x1000x144xf32>
    %get3A_8 = vector.shape_cast %get3A_7 : vector<1x1000x144xf32> to vector<1000x144xf32>
    %add3A = arith.addf %get3A_3, %get3A_8 : vector<1000x144xf32>
    %slice3A = vector.extract_strided_slice %add3A {offsets = [0, 128], sizes = [1000, 1], strides = [1, 1]} : vector<1000x144xf32> to vector<1000x1xf32>
    %max3A = arith.constant 1.000000e+00 : f32
    %max3A_9 = vector.broadcast %max3A : f32 to vector<1000x1xf32>
    %max3A_10 = arith.maximumf %slice3A, %max3A_9 : vector<1000x1xf32>
    %div3A = arith.constant 1.000000e+00 : f32
    %div3A_11 = vector.broadcast %div3A : f32 to vector<1000x1xf32>
    %div3A_12 = arith.divf %div3A_11, %max3A_10 : vector<1000x1xf32>
    %slice3A_13 = vector.extract_strided_slice %add3A {offsets = [0, 0], sizes = [1000, 128], strides = [1, 1]} : vector<1000x144xf32> to vector<1000x128xf32>
    %mul3A = vector.broadcast %div3A_12 : vector<1000x1xf32> to vector<1000x128xf32>
    %mul3A_14 = arith.mulf %slice3A_13, %mul3A : vector<1000x128xf32>
    %get3A_15 = arith.constant 0 : index
    %get3A_16 = arith.constant 0 : index
    %get3A_17 = vector.load %arg3[%get3A_15, %get3A_16] : memref<128x384xf32, #tpu.memory_space<vmem>>, vector<128x384xf32>
    %dot_general3A = arith.constant dense<0.000000e+00> : vector<1000x384xf32>
    %dot_general3A_18 = tpu.matmul %mul3A_14, %get3A_17, %dot_general3A {dimension_numbers = #tpu.dot_dimension_numbers<[1], [0], [0], [1], [0, 0, 1, 1], [], []>, transpose_lhs_hint = false} : vector<1000x128xf32>, vector<128x384xf32>, vector<1000x384xf32> -> vector<1000x384xf32>
    %get3A_19 = arith.constant 0 : index
    %get3A_20 = arith.constant 0 : index
    %get3A_21 = vector.load %arg2[%get3A_19, %get3A_20] : memref<1000x128xf32, #tpu.memory_space<vmem>>, vector<1000x128xf32>
    %get3A_22 = arith.constant 0 : index
    %get3A_23 = arith.constant 0 : index
    %get3A_24 = vector.load %arg4[%get3A_22, %get3A_23] : memref<128x384xf32, #tpu.memory_space<vmem>>, vector<128x384xf32>
    %dot_general3A_25 = arith.constant dense<0.000000e+00> : vector<1000x384xf32>
    %dot_general3A_26 = tpu.matmul %get3A_21, %get3A_24, %dot_general3A_25 {dimension_numbers = #tpu.dot_dimension_numbers<[1], [0], [0], [1], [0, 0, 1, 1], [], []>, transpose_lhs_hint = false} : vector<1000x128xf32>, vector<128x384xf32>, vector<1000x384xf32> -> vector<1000x384xf32>
    %add3A_27 = arith.addf %dot_general3A_18, %dot_general3A_26 : vector<1000x384xf32>
    %get3A_28 = arith.constant 0 : index
    %get3A_29 = arith.constant 0 : index
    %get3A_30 = vector.load %arg5[%get3A_28, %get3A_29] : memref<1x384xf32, #tpu.memory_space<vmem>>, vector<1x384xf32>
    %add3A_31 = vector.broadcast %get3A_30 : vector<1x384xf32> to vector<1000x384xf32>
    %add3A_32 = arith.addf %add3A_27, %add3A_31 : vector<1000x384xf32>
    %max3A_33 = arith.constant 0.000000e+00 : f32
    %max3A_34 = vector.broadcast %max3A_33 : f32 to vector<1000x384xf32>
    %max3A_35 = arith.maximumf %add3A_32, %max3A_34 : vector<1000x384xf32>
    %get3A_36 = arith.constant 0 : index
    %get3A_37 = arith.constant 0 : index
    %get3A_38 = vector.load %arg6[%get3A_36, %get3A_37] : memref<384x152xf32, #tpu.memory_space<vmem>>, vector<384x152xf32>
    %dot_general3A_39 = arith.constant dense<0.000000e+00> : vector<1000x152xf32>
    %dot_general3A_40 = tpu.matmul %max3A_35, %get3A_38, %dot_general3A_39 {dimension_numbers = #tpu.dot_dimension_numbers<[1], [0], [0], [1], [0, 0, 1, 1], [], []>, transpose_lhs_hint = false} : vector<1000x384xf32>, vector<384x152xf32>, vector<1000x152xf32> -> vector<1000x152xf32>
    %swap3A = arith.constant 0 : index
    %swap3A_41 = arith.constant 0 : index
    %swap3A_42 = vector.load %arg8[%swap3A, %swap3A_41] : memref<1000x152xf32, #tpu.memory_space<vmem>>, vector<1000x152xf32>
    tpu.vector_store %arg8[%swap3A, %swap3A_41], %dot_general3A_40 {strides = array<i32>} : memref<1000x152xf32, #tpu.memory_space<vmem>>, vector<1000x152xf32>,
    %get3A_43 = arith.constant 0 : index
    %get3A_44 = arith.constant 0 : index
    %get3A_45 = vector.load %arg7[%get3A_43, %get3A_44] : memref<384x152xf32, #tpu.memory_space<vmem>>, vector<384x152xf32>
    %dot_general3A_46 = arith.constant dense<0.000000e+00> : vector<1000x152xf32>
    %dot_general3A_47 = tpu.matmul %max3A_35, %get3A_45, %dot_general3A_46 {dimension_numbers = #tpu.dot_dimension_numbers<[1], [0], [0], [1], [0, 0, 1, 1], [], []>, transpose_lhs_hint = false} : vector<1000x384xf32>, vector<384x152xf32>, vector<1000x152xf32> -> vector<1000x152xf32>
    %swap3A_48 = arith.constant 0 : index
    %swap3A_49 = arith.constant 0 : index
    %swap3A_50 = vector.load %arg9[%swap3A_48, %swap3A_49] : memref<1000x152xf32, #tpu.memory_space<vmem>>, vector<1000x152xf32>
    tpu.vector_store %arg9[%swap3A_48, %swap3A_49], %dot_general3A_47 {strides = array<i32>} : memref<1000x152xf32, #tpu.memory_space<vmem>>, vector<1000x152xf32>,
    %swap3A_51 = arith.constant 0 : index
    %swap3A_52 = arith.constant 0 : index
    %swap3A_53 = vector.load %arg10[%swap3A_51, %swap3A_52] : memref<1000x1xf32, #tpu.memory_space<vmem>>, vector<1000x1xf32>
    tpu.vector_store %arg10[%swap3A_51, %swap3A_52], %div3A_12 {strides = array<i32>} : memref<1000x1xf32, #tpu.memory_space<vmem>>, vector<1000x1xf32>,
    return
  }
  func.func @transform_0(%arg0: i32) -> (i32, i32, i32) {
    %c0_i32 = arith.constant 0 : i32
    %c0_i32_0 = arith.constant 0 : i32
    %c0_i32_1 = arith.constant 0 : i32
    return %c0_i32, %arg0, %c0_i32_0 : i32, i32, i32
  }
  func.func @transform_1(%arg0: i32) -> (i32, i32) {
    %c0_i32 = arith.constant 0 : i32
    %c0_i32_0 = arith.constant 0 : i32
    return %arg0, %c0_i32 : i32, i32
  }
  func.func @transform_2(%arg0: i32) -> (i32, i32) {
    %c0_i32 = arith.constant 0 : i32
    %c0_i32_0 = arith.constant 0 : i32
    %c0_i32_1 = arith.constant 0 : i32
    return %c0_i32, %c0_i32_0 : i32, i32
  }
  func.func @transform_3(%arg0: i32) -> (i32, i32) {
    %c0_i32 = arith.constant 0 : i32
    %c0_i32_0 = arith.constant 0 : i32
    %c0_i32_1 = arith.constant 0 : i32
    return %c0_i32, %c0_i32_0 : i32, i32
  }
  func.func @transform_4(%arg0: i32) -> (i32, i32) {
    %c0_i32 = arith.constant 0 : i32
    %c0_i32_0 = arith.constant 0 : i32
    %c0_i32_1 = arith.constant 0 : i32
    return %c0_i32, %c0_i32_0 : i32, i32
  }
  func.func @transform_5(%arg0: i32) -> (i32, i32) {
    %c0_i32 = arith.constant 0 : i32
    %c0_i32_0 = arith.constant 0 : i32
    %c0_i32_1 = arith.constant 0 : i32
    return %c0_i32, %c0_i32_0 : i32, i32
  }
  func.func @transform_6(%arg0: i32) -> (i32, i32) {
    %c0_i32 = arith.constant 0 : i32
    %c0_i32_0 = arith.constant 0 : i32
    %c0_i32_1 = arith.constant 0 : i32
    return %c0_i32, %c0_i32_0 : i32, i32
  }
  func.func @transform_7(%arg0: i32) -> (i32, i32) {
    %c0_i32 = arith.constant 0 : i32
    %c0_i32_0 = arith.constant 0 : i32
    return %arg0, %c0_i32 : i32, i32
  }
  func.func @transform_8(%arg0: i32) -> (i32, i32) {
    %c0_i32 = arith.constant 0 : i32
    %c0_i32_0 = arith.constant 0 : i32
    return %arg0, %c0_i32 : i32, i32
  }
  func.func @transform_9(%arg0: i32) -> (i32, i32) {
    %c0_i32 = arith.constant 0 : i32
    %c0_i32_0 = arith.constant 0 : i32
    return %arg0, %c0_i32 : i32, i32
  }
}

module attributes {stable_mosaic.version = 14 : i64} {
  func.func @_dense2_body(%arg0: i32, %arg1: memref<2x1000x152xf32, #tpu.memory_space<vmem>>, %arg2: memref<1000x152xf32, #tpu.memory_space<vmem>>, %arg3: memref<1000x1xf32, #tpu.memory_space<vmem>>, %arg4: memref<1x152xf32, #tpu.memory_space<vmem>>, %arg5: memref<1000x100xf32, #tpu.memory_space<vmem>>, %arg6: memref<1000x30xf32, #tpu.memory_space<vmem>>, %arg7: memref<1000x15xf32, #tpu.memory_space<vmem>>) attributes {dimension_semantics = [#tpu.dimension_semantics<arbitrary>], iteration_bounds = array<i64: 10>, scalar_prefetch = 0 : i64, scratch_operands = 0 : i64, tpu.core_type = #tpu.core_type<tc>, window_params = [{transform_indices = @transform_0, window_bounds = array<i64: 2, 1000, 152>}, {transform_indices = @transform_1, window_bounds = array<i64: 1000, 152>}, {transform_indices = @transform_2, window_bounds = array<i64: 1000, 1>}, {pipeline_mode = #tpu.pipeline_mode<synchronous>, transform_indices = @transform_3, window_bounds = array<i64: 1, 152>}, {transform_indices = @transform_4, window_bounds = array<i64: 1000, 100>}, {transform_indices = @transform_5, window_bounds = array<i64: 1000, 30>}, {transform_indices = @transform_6, window_bounds = array<i64: 1000, 15>}]} {
    %get3A = arith.constant 0 : index
    %get3A_0 = arith.constant 0 : index
    %get3A_1 = arith.constant 0 : index
    %get3A_2 = vector.load %arg1[%get3A, %get3A_0, %get3A_1] : memref<2x1000x152xf32, #tpu.memory_space<vmem>>, vector<1x1000x152xf32>
    %get3A_3 = vector.shape_cast %get3A_2 : vector<1x1000x152xf32> to vector<1000x152xf32>
    %get3A_4 = arith.constant 1 : index
    %get3A_5 = arith.constant 0 : index
    %get3A_6 = arith.constant 0 : index
    %get3A_7 = vector.load %arg1[%get3A_4, %get3A_5, %get3A_6] : memref<2x1000x152xf32, #tpu.memory_space<vmem>>, vector<1x1000x152xf32>
    %get3A_8 = vector.shape_cast %get3A_7 : vector<1x1000x152xf32> to vector<1000x152xf32>
    %add3A = arith.addf %get3A_3, %get3A_8 : vector<1000x152xf32>
    %get3A_9 = arith.constant 0 : index
    %get3A_10 = arith.constant 0 : index
    %get3A_11 = vector.load %arg3[%get3A_9, %get3A_10] : memref<1000x1xf32, #tpu.memory_space<vmem>>, vector<1000x1xf32>
    %mul3A = vector.broadcast %get3A_11 : vector<1000x1xf32> to vector<1000x152xf32>
    %mul3A_12 = arith.mulf %add3A, %mul3A : vector<1000x152xf32>
    %get3A_13 = arith.constant 0 : index
    %get3A_14 = arith.constant 0 : index
    %get3A_15 = vector.load %arg2[%get3A_13, %get3A_14] : memref<1000x152xf32, #tpu.memory_space<vmem>>, vector<1000x152xf32>
    %add3A_16 = arith.addf %mul3A_12, %get3A_15 : vector<1000x152xf32>
    %get3A_17 = arith.constant 0 : index
    %get3A_18 = arith.constant 0 : index
    %get3A_19 = vector.load %arg4[%get3A_17, %get3A_18] : memref<1x152xf32, #tpu.memory_space<vmem>>, vector<1x152xf32>
    %add3A_20 = vector.broadcast %get3A_19 : vector<1x152xf32> to vector<1000x152xf32>
    %add3A_21 = arith.addf %add3A_16, %add3A_20 : vector<1000x152xf32>
    %iota3A = tpu.iota {dimensions = array<i32: 1>} : vector<1000x152xi32>
    %broadcast_in_dim3A = arith.constant 0.000000e+00 : f32
    %broadcast_in_dim3A_22 = vector.broadcast %broadcast_in_dim3A : f32 to vector<1000x152xf32>
    %broadcast_in_dim3A_23 = arith.constant 0.000000e+00 : f32
    %broadcast_in_dim3A_24 = vector.broadcast %broadcast_in_dim3A_23 : f32 to vector<1000x152xf32>
    %ge3A = arith.constant 0 : i32
    %ge3A_25 = vector.broadcast %ge3A : i32 to vector<1000x152xi32>
    %ge3A_26 = arith.cmpi sge, %iota3A, %ge3A_25 : vector<1000x152xi32>
    %lt3A = arith.constant 100 : i32
    %lt3A_27 = vector.broadcast %lt3A : i32 to vector<1000x152xi32>
    %lt3A_28 = arith.cmpi slt, %iota3A, %lt3A_27 : vector<1000x152xi32>
    %and3A = arith.andi %ge3A_26, %lt3A_28 : vector<1000x152xi1>
    %jit3A = arith.constant -1.000000e+30 : f32
    %broadcast_in_dim3A_29 = vector.broadcast %jit3A : f32 to vector<1000x152xf32>
    %select_n3A = arith.select %and3A, %add3A_21, %broadcast_in_dim3A_29 : vector<1000x152xi1>, vector<1000x152xf32>
    %reduce_max3A = arith.constant dense<0xFF800000> : vector<1000xf32>
    %reduce_max3A_30 = vector.multi_reduction <maximumf>, %select_n3A, %reduce_max3A [1] : vector<1000x152xf32> to vector<1000xf32>
    %broadcast_in_dim3A_31 = vector.shape_cast %reduce_max3A_30 : vector<1000xf32> to vector<1000x1xf32>
    %broadcast_in_dim3A_32 = vector.shape_cast %broadcast_in_dim3A_31 : vector<1000x1xf32> to vector<1000x1xf32>
    %broadcast_in_dim3A_33 = vector.broadcast %broadcast_in_dim3A_32 : vector<1000x1xf32> to vector<1000x152xf32>
    %select_n3A_34 = arith.select %and3A, %broadcast_in_dim3A_33, %broadcast_in_dim3A_24 : vector<1000x152xi1>, vector<1000x152xf32>
    %sub3A = vector.broadcast %broadcast_in_dim3A_31 : vector<1000x1xf32> to vector<1000x152xf32>
    %sub3A_35 = arith.subf %add3A_21, %sub3A : vector<1000x152xf32>
    %exp3A = math.exp %sub3A_35 : vector<1000x152xf32>
    %jit3A_36 = arith.constant 0.000000e+00 : f32
    %broadcast_in_dim3A_37 = vector.broadcast %jit3A_36 : f32 to vector<1000x152xf32>
    %select_n3A_38 = arith.select %and3A, %exp3A, %broadcast_in_dim3A_37 : vector<1000x152xi1>, vector<1000x152xf32>
    %reduce_sum3A = arith.constant dense<0.000000e+00> : vector<1000xf32>
    %reduce_sum3A_39 = vector.multi_reduction <add>, %select_n3A_38, %reduce_sum3A [1] : vector<1000x152xf32> to vector<1000xf32>
    %broadcast_in_dim3A_40 = vector.shape_cast %reduce_sum3A_39 : vector<1000xf32> to vector<1000x1xf32>
    %log3A = math.log %broadcast_in_dim3A_40 : vector<1000x1xf32>
    %broadcast_in_dim3A_41 = vector.shape_cast %log3A : vector<1000x1xf32> to vector<1000x1xf32>
    %broadcast_in_dim3A_42 = vector.broadcast %broadcast_in_dim3A_41 : vector<1000x1xf32> to vector<1000x152xf32>
    %select_n3A_43 = arith.select %and3A, %broadcast_in_dim3A_42, %broadcast_in_dim3A_22 : vector<1000x152xi1>, vector<1000x152xf32>
    %ge3A_44 = arith.constant 100 : i32
    %ge3A_45 = vector.broadcast %ge3A_44 : i32 to vector<1000x152xi32>
    %ge3A_46 = arith.cmpi sge, %iota3A, %ge3A_45 : vector<1000x152xi32>
    %lt3A_47 = arith.constant 130 : i32
    %lt3A_48 = vector.broadcast %lt3A_47 : i32 to vector<1000x152xi32>
    %lt3A_49 = arith.cmpi slt, %iota3A, %lt3A_48 : vector<1000x152xi32>
    %and3A_50 = arith.andi %ge3A_46, %lt3A_49 : vector<1000x152xi1>
    %jit3A_51 = arith.constant -1.000000e+30 : f32
    %broadcast_in_dim3A_52 = vector.broadcast %jit3A_51 : f32 to vector<1000x152xf32>
    %select_n3A_53 = arith.select %and3A_50, %add3A_21, %broadcast_in_dim3A_52 : vector<1000x152xi1>, vector<1000x152xf32>
    %reduce_max3A_54 = arith.constant dense<0xFF800000> : vector<1000xf32>
    %reduce_max3A_55 = vector.multi_reduction <maximumf>, %select_n3A_53, %reduce_max3A_54 [1] : vector<1000x152xf32> to vector<1000xf32>
    %broadcast_in_dim3A_56 = vector.shape_cast %reduce_max3A_55 : vector<1000xf32> to vector<1000x1xf32>
    %broadcast_in_dim3A_57 = vector.shape_cast %broadcast_in_dim3A_56 : vector<1000x1xf32> to vector<1000x1xf32>
    %broadcast_in_dim3A_58 = vector.broadcast %broadcast_in_dim3A_57 : vector<1000x1xf32> to vector<1000x152xf32>
    %select_n3A_59 = arith.select %and3A_50, %broadcast_in_dim3A_58, %select_n3A_34 : vector<1000x152xi1>, vector<1000x152xf32>
    %sub3A_60 = vector.broadcast %broadcast_in_dim3A_56 : vector<1000x1xf32> to vector<1000x152xf32>
    %sub3A_61 = arith.subf %add3A_21, %sub3A_60 : vector<1000x152xf32>
    %exp3A_62 = math.exp %sub3A_61 : vector<1000x152xf32>
    %jit3A_63 = arith.constant 0.000000e+00 : f32
    %broadcast_in_dim3A_64 = vector.broadcast %jit3A_63 : f32 to vector<1000x152xf32>
    %select_n3A_65 = arith.select %and3A_50, %exp3A_62, %broadcast_in_dim3A_64 : vector<1000x152xi1>, vector<1000x152xf32>
    %reduce_sum3A_66 = arith.constant dense<0.000000e+00> : vector<1000xf32>
    %reduce_sum3A_67 = vector.multi_reduction <add>, %select_n3A_65, %reduce_sum3A_66 [1] : vector<1000x152xf32> to vector<1000xf32>
    %broadcast_in_dim3A_68 = vector.shape_cast %reduce_sum3A_67 : vector<1000xf32> to vector<1000x1xf32>
    %log3A_69 = math.log %broadcast_in_dim3A_68 : vector<1000x1xf32>
    %broadcast_in_dim3A_70 = vector.shape_cast %log3A_69 : vector<1000x1xf32> to vector<1000x1xf32>
    %broadcast_in_dim3A_71 = vector.broadcast %broadcast_in_dim3A_70 : vector<1000x1xf32> to vector<1000x152xf32>
    %select_n3A_72 = arith.select %and3A_50, %broadcast_in_dim3A_71, %select_n3A_43 : vector<1000x152xi1>, vector<1000x152xf32>
    %ge3A_73 = arith.constant 130 : i32
    %ge3A_74 = vector.broadcast %ge3A_73 : i32 to vector<1000x152xi32>
    %ge3A_75 = arith.cmpi sge, %iota3A, %ge3A_74 : vector<1000x152xi32>
    %lt3A_76 = arith.constant 145 : i32
    %lt3A_77 = vector.broadcast %lt3A_76 : i32 to vector<1000x152xi32>
    %lt3A_78 = arith.cmpi slt, %iota3A, %lt3A_77 : vector<1000x152xi32>
    %and3A_79 = arith.andi %ge3A_75, %lt3A_78 : vector<1000x152xi1>
    %jit3A_80 = arith.constant -1.000000e+30 : f32
    %broadcast_in_dim3A_81 = vector.broadcast %jit3A_80 : f32 to vector<1000x152xf32>
    %select_n3A_82 = arith.select %and3A_79, %add3A_21, %broadcast_in_dim3A_81 : vector<1000x152xi1>, vector<1000x152xf32>
    %reduce_max3A_83 = arith.constant dense<0xFF800000> : vector<1000xf32>
    %reduce_max3A_84 = vector.multi_reduction <maximumf>, %select_n3A_82, %reduce_max3A_83 [1] : vector<1000x152xf32> to vector<1000xf32>
    %broadcast_in_dim3A_85 = vector.shape_cast %reduce_max3A_84 : vector<1000xf32> to vector<1000x1xf32>
    %broadcast_in_dim3A_86 = vector.shape_cast %broadcast_in_dim3A_85 : vector<1000x1xf32> to vector<1000x1xf32>
    %broadcast_in_dim3A_87 = vector.broadcast %broadcast_in_dim3A_86 : vector<1000x1xf32> to vector<1000x152xf32>
    %select_n3A_88 = arith.select %and3A_79, %broadcast_in_dim3A_87, %select_n3A_59 : vector<1000x152xi1>, vector<1000x152xf32>
    %sub3A_89 = vector.broadcast %broadcast_in_dim3A_85 : vector<1000x1xf32> to vector<1000x152xf32>
    %sub3A_90 = arith.subf %add3A_21, %sub3A_89 : vector<1000x152xf32>
    %exp3A_91 = math.exp %sub3A_90 : vector<1000x152xf32>
    %jit3A_92 = arith.constant 0.000000e+00 : f32
    %broadcast_in_dim3A_93 = vector.broadcast %jit3A_92 : f32 to vector<1000x152xf32>
    %select_n3A_94 = arith.select %and3A_79, %exp3A_91, %broadcast_in_dim3A_93 : vector<1000x152xi1>, vector<1000x152xf32>
    %reduce_sum3A_95 = arith.constant dense<0.000000e+00> : vector<1000xf32>
    %reduce_sum3A_96 = vector.multi_reduction <add>, %select_n3A_94, %reduce_sum3A_95 [1] : vector<1000x152xf32> to vector<1000xf32>
    %broadcast_in_dim3A_97 = vector.shape_cast %reduce_sum3A_96 : vector<1000xf32> to vector<1000x1xf32>
    %log3A_98 = math.log %broadcast_in_dim3A_97 : vector<1000x1xf32>
    %broadcast_in_dim3A_99 = vector.shape_cast %log3A_98 : vector<1000x1xf32> to vector<1000x1xf32>
    %broadcast_in_dim3A_100 = vector.broadcast %broadcast_in_dim3A_99 : vector<1000x1xf32> to vector<1000x152xf32>
    %select_n3A_101 = arith.select %and3A_79, %broadcast_in_dim3A_100, %select_n3A_72 : vector<1000x152xi1>, vector<1000x152xf32>
    %sub3A_102 = arith.subf %add3A_21, %select_n3A_88 : vector<1000x152xf32>
    %sub3A_103 = arith.subf %sub3A_102, %select_n3A_101 : vector<1000x152xf32>
    %slice3A = vector.extract_strided_slice %sub3A_103 {offsets = [0, 0], sizes = [1000, 100], strides = [1, 1]} : vector<1000x152xf32> to vector<1000x100xf32>
    %swap3A = arith.constant 0 : index
    %swap3A_104 = arith.constant 0 : index
    %swap3A_105 = vector.load %arg5[%swap3A, %swap3A_104] : memref<1000x100xf32, #tpu.memory_space<vmem>>, vector<1000x100xf32>
    tpu.vector_store %arg5[%swap3A, %swap3A_104], %slice3A {strides = array<i32>} : memref<1000x100xf32, #tpu.memory_space<vmem>>, vector<1000x100xf32>,
    %slice3A_106 = vector.extract_strided_slice %sub3A_103 {offsets = [0, 100], sizes = [1000, 30], strides = [1, 1]} : vector<1000x152xf32> to vector<1000x30xf32>
    %swap3A_107 = arith.constant 0 : index
    %swap3A_108 = arith.constant 0 : index
    %swap3A_109 = vector.load %arg6[%swap3A_107, %swap3A_108] : memref<1000x30xf32, #tpu.memory_space<vmem>>, vector<1000x30xf32>
    tpu.vector_store %arg6[%swap3A_107, %swap3A_108], %slice3A_106 {strides = array<i32>} : memref<1000x30xf32, #tpu.memory_space<vmem>>, vector<1000x30xf32>,
    %slice3A_110 = vector.extract_strided_slice %sub3A_103 {offsets = [0, 130], sizes = [1000, 15], strides = [1, 1]} : vector<1000x152xf32> to vector<1000x15xf32>
    %swap3A_111 = arith.constant 0 : index
    %swap3A_112 = arith.constant 0 : index
    %swap3A_113 = vector.load %arg7[%swap3A_111, %swap3A_112] : memref<1000x15xf32, #tpu.memory_space<vmem>>, vector<1000x15xf32>
    tpu.vector_store %arg7[%swap3A_111, %swap3A_112], %slice3A_110 {strides = array<i32>} : memref<1000x15xf32, #tpu.memory_space<vmem>>, vector<1000x15xf32>,
    return
  }
  func.func @transform_0(%arg0: i32) -> (i32, i32, i32) {
    %c0_i32 = arith.constant 0 : i32
    %c0_i32_0 = arith.constant 0 : i32
    %c0_i32_1 = arith.constant 0 : i32
    return %c0_i32, %arg0, %c0_i32_0 : i32, i32, i32
  }
  func.func @transform_1(%arg0: i32) -> (i32, i32) {
    %c0_i32 = arith.constant 0 : i32
    %c0_i32_0 = arith.constant 0 : i32
    return %arg0, %c0_i32 : i32, i32
  }
  func.func @transform_2(%arg0: i32) -> (i32, i32) {
    %c0_i32 = arith.constant 0 : i32
    %c0_i32_0 = arith.constant 0 : i32
    return %arg0, %c0_i32 : i32, i32
  }
  func.func @transform_3(%arg0: i32) -> (i32, i32) {
    %c0_i32 = arith.constant 0 : i32
    %c0_i32_0 = arith.constant 0 : i32
    %c0_i32_1 = arith.constant 0 : i32
    return %c0_i32, %c0_i32_0 : i32, i32
  }
  func.func @transform_4(%arg0: i32) -> (i32, i32) {
    %c0_i32 = arith.constant 0 : i32
    %c0_i32_0 = arith.constant 0 : i32
    return %arg0, %c0_i32 : i32, i32
  }
  func.func @transform_5(%arg0: i32) -> (i32, i32) {
    %c0_i32 = arith.constant 0 : i32
    %c0_i32_0 = arith.constant 0 : i32
    return %arg0, %c0_i32 : i32, i32
  }
  func.func @transform_6(%arg0: i32) -> (i32, i32) {
    %c0_i32 = arith.constant 0 : i32
    %c0_i32_0 = arith.constant 0 : i32
    return %arg0, %c0_i32 : i32, i32
  }
}

</mosaic_0001>

<sc_bundles>
// kernel: kernel.6.cloned.1.call-start
scs
__scs_entry_jumppad:
0x0: {  	(pc) =	sbr.rel $0x88, $3  }
0x1: {  	(tag) =	ssettag $0x0;
	lr =	simm.s32 $0x1  }
0x2: {  	[smem:$0x3F8D] =	sst lr;
	_ =	strace $0xD0000000  }
0x3: {  	_ = 	snop  }
0x4: {  	_ = 	snop  }
0x5: {  	_ = 	snop  }
0x6: {  	_ = 	snop  }
0x7: {  	_ = 	snop  }
__scs_overlays_trampoline_lowered:
0x8: {  	[smem:$0x3F9C] =	sst s0  }
0x9: {  	[smem:$0x3F9D] =	sst s1  }
0xa: {  	[smem:$0x3F9E] =	sst s2  }
0xb: {  	[smem:$0x3F9F] =	sst s3  }
0xc: {  	[smem:$0x3FA0] =	sst s4  }
0xd: {  	[smem:$0x3FA1] =	sst s5  }
0xe: {  	[smem:$0x3FA2] =	sst s6  }
0xf: {  	[smem:$0x3FA3] =	sst s7  }
0x10: {  	[smem:$0x3FA4] =	sst s8  }
0x11: {  	[smem:$0x3FA5] =	sst s9;
	s0 =	simm.s32 @!p0 $0x0  }
0x12: {  	s1 =	sld [smem:$0x3F8B];
	s0 =	simm.s32 @p0 $0x1  }
0x13: {  	[smem:$0x3FA6] =	sst s0;
	s0 =	simm.s32 @!p1 $0x0  }
0x14: {  	s2 =	sld [smem:$0x3F8A];
	s0 =	simm.s32 @p1 $0x1  }
0x15: {  	[smem:$0x3FA7] =	sst s0;
	s0 =	simm.s32 @!p2 $0x0  }
0x16: {  	s3 =	sld [smem:$0x3FDB];
	s0 =	simm.s32 @p2 $0x1  }
0x17: {  	s4 =	simm.s32 $0x1BF5;
	[smem:$0x3FA9] =	sst s0  }
0x18: {  	s0 =	sld [smem:$0x3F8C];
	_ =	swait.ge [sflag:s4], $0x0  }
0x19: {  	s7 =	sld [smem:$0x3F8D]  }
0x1a: {  	s8 =	sadd.s32 $0xFFFFE003, lr  }
0x1b: {  	s9 =	sadd.s32 $0xFFFFFEF7, lr;
	s5 =	simm.s32 $0xFFFFFFFF;
	p2 =	slt.u32 s8, $0xFFFFF086  }
0x1c: {  	p1 =	slt.u32 s9, $0xF7A;
	s5 =	simm.s32 @!p2 $0x0  }
0x1d: {  	s5 =	simm.s32 @p1 $0x1;
	p0 =	seq.s32 s7, s2  }
0x1e: {  	s7 =	smul.u32 @!p0 $0xF7A, s2;
	p2 =	seq.s32 @!p0 s5, $0x0  }
0x1f: {  	s9 =	smul.u32 $0xF7A, s1;
	s8 =	simm.s32 @!p0 $0x1BF5;
	p2 =	por !p2, p0  }
0x20: {  	[sflag:s8] =	ssyncset.s32 @!p0 $0xFFFFF086;
	s6 =	sadd.s32 @!p0 s3, s7;
	s7 =	simm.s32 @!p0 $0x108  }
0x21: {  	s3 =	sadd.s32 s3, s9;
	s6 =	sadd.s32 @!p0 $0x88, s6;
	s7 =	simm.s32 @p2 $0x1082  }
0x22: {  	[simem:s7], [sflag:s8] =	dma.local @!p0 [hbm:s6], $0xF7A  }
0x23: {  	s9 =	sor.u32 $0xD0000000, s2;
	s6 =	simm.s32 $0x108;
	_ =	swait.ge @!p0 [sflag:s8], $0x0  }
0x24: {  	s3 =	sadd.s32 $0x88, s3;
	s6 =	simm.s32 @!p1 $0x1082;
	[sflag:s4] =	ssyncset.s32 $0xFFFFF086  }
0x25: {  	[simem:s6], [sflag:s4] =	dma.local [hbm:s3], $0xF7A  }
0x26: {  	[smem:$0x3F8D] =	sst s1;
	(tag) =	ssettag s2;
	_ =	strace s9  }
0x27: {  	s1 =	sld [smem:$0x3F9D]  }
0x28: {  	s2 =	sld [smem:$0x3F9E]  }
0x29: {  	s4 =	sld [smem:$0x3FA0]  }
0x2a: {  	p0 =	seq.s32 s5, $0x0;
	s5 =	sld [smem:$0x3FA1]  }
0x2b: {  	s6 =	sld [smem:$0x3FA2]  }
0x2c: {  	s7 =	sld [smem:$0x3FA3]  }
0x2d: {  	s3 =	simm.s32 $0x108;
	s8 =	sld [smem:$0x3FA4]  }
0x2e: {  	s3 =	simm.s32 @!p0 $0x1082;
	s9 =	sld [smem:$0x3FA5]  }
0x2f: {  	lr =	sadd.s32 s0, s3;
	s0 =	sld [smem:$0x3F9C]  }
0x30: {  	s3 =	sld [smem:$0x3F9F]  }
0x31: {  	[smem:$0x3FA8] =	sst s10  }
0x32: {  	s10 =	sld [smem:$0x3FA6];
	_ =	sdelay $0x3  }
0x33: {  	p0 =	seq.s32 s10, $0x1;
	s10 =	sld [smem:$0x3FA8];
	_ =	sdelay $0x3  }
0x34: {  	[smem:$0x3FA8] =	sst s10  }
0x35: {  	s10 =	sld [smem:$0x3FA7];
	_ =	sdelay $0x3  }
0x36: {  	p1 =	seq.s32 s10, $0x1;
	s10 =	sld [smem:$0x3FA8];
	_ =	sdelay $0x3  }
0x37: {  	[smem:$0x3FA8] =	sst s10  }
0x38: {  	s10 =	sld [smem:$0x3FA9]  }
0x39: {  	_ = 	snop;
	(pc) =	sbr.ind lr, $3  }
0x3a: {  	_ = 	snop  }
0x3b: {  	_ = 	snop  }
0x3c: {  	p2 =	seq.s32 s10, $0x1;
	s10 =	sld [smem:$0x3FA8]  }
0x3d: {  	_ =	shalt  }
0x3e: {  	_ =	shalt  }
0x3f: {  	_ =	shalt  }
0x40: {  	_ =	shalt  }
0x41: {  	_ =	shalt  }
0x42: {  	_ =	shalt  }
0x43: {  	_ =	shalt  }
0x44: {  	_ =	shalt  }
0x45: {  	_ =	shalt  }
0x46: {  	_ =	shalt  }
0x47: {  	_ =	shalt  }
0x48: {  	_ =	shalt  }
0x49: {  	_ =	shalt  }
0x4a: {  	_ =	shalt  }
0x4b: {  	_ =	shalt  }
0x4c: {  	_ =	shalt  }
0x4d: {  	_ =	shalt  }
0x4e: {  	_ =	shalt  }
0x4f: {  	_ =	shalt  }
0x50: {  	_ =	shalt  }
0x51: {  	_ =	shalt  }
0x52: {  	_ =	shalt  }
0x53: {  	_ =	shalt  }
0x54: {  	_ =	shalt  }
0x55: {  	_ =	shalt  }
0x56: {  	_ =	shalt  }
0x57: {  	_ =	shalt  }
0x58: {  	_ =	shalt  }
0x59: {  	_ =	shalt  }
0x5a: {  	_ =	shalt  }
0x5b: {  	_ =	shalt  }
0x5c: {  	_ =	shalt  }
0x5d: {  	_ =	shalt  }
0x5e: {  	_ =	shalt  }
0x5f: {  	_ =	shalt  }
0x60: {  	_ =	shalt  }
0x61: {  	_ =	shalt  }
0x62: {  	_ =	shalt  }
0x63: {  	_ =	shalt  }
0x64: {  	_ =	shalt  }
0x65: {  	_ =	shalt  }
0x66: {  	_ =	shalt  }
0x67: {  	_ =	shalt  }
0x68: {  	_ =	shalt  }
0x69: {  	_ =	shalt  }
0x6a: {  	_ =	shalt  }
0x6b: {  	_ =	shalt  }
0x6c: {  	_ =	shalt  }
0x6d: {  	_ =	shalt  }
0x6e: {  	_ =	shalt  }
0x6f: {  	_ =	shalt  }
0x70: {  	_ =	shalt  }
0x71: {  	_ =	shalt  }
0x72: {  	_ =	shalt  }
0x73: {  	_ =	shalt  }
0x74: {  	_ =	shalt  }
0x75: {  	_ =	shalt  }
0x76: {  	_ =	shalt  }
0x77: {  	_ =	shalt  }
0x78: {  	_ =	shalt  }
0x79: {  	_ =	shalt  }
0x7a: {  	_ =	shalt  }
0x7b: {  	_ =	shalt  }
0x7c: {  	_ =	shalt  }
0x7d: {  	_ =	shalt  }
0x7e: {  	_ =	shalt  }
0x7f: {  	_ =	shalt  }
0x80: {  	_ =	shalt  }
0x81: {  	_ =	shalt  }
0x82: {  	_ =	shalt  }
0x83: {  	_ =	shalt  }
0x84: {  	_ =	shalt  }
0x85: {  	_ =	shalt  }
0x86: {  	_ =	shalt  }
0x87: {  	_ =	shalt  }
.Lfunc_end0:
.L_simem_size_0:
called_computation_lowered:
.L_overlay_start_0:
0x88: {  	s2 =	sld [smem:$0x3FD9]  }
0x89: {  	s3 =	sld [smem:$0x3FFE];
	_ =	sdelay $0x1  }
0x8a: {  	s1 =	srdreg.scid  }
0x8b: {  	s0 =	sand.u32 $0x1, s1  }
0x8c: {  	s14 =	sshll.u32 s0, $0xA;
	s2 =	sadd.s32 s3, s2  }
0x8d: {  	s2 =	sadd.s32 s2, s14  }
0x8e: {  	[smem:$0x3FB4] =	sst s2  }
0x8f: {  	_ = 	snop  }
0x90: {  	s2 =	sld [smem:$0x3FD0];
	_ =	sdelay $0x2  }
0x91: {  	s15 =	simm.s32 $0xA;
	s4 =	simm.s32 $0x10  }
0x92: {  	[smem:s4], [sflag:s15] =	dma.local [hbm:s2], $0x1  }
0x93: {  	_ =	swait.eq [sflag:s15], $0x1  }
0x94: {  	[sflag:s15] =	ssyncset.done $0x0  }
0x95: {  	s16 =	sld [smem:$0x10];
	[sflag:s15] =	ssyncadd.s32 $0xFFFFFFFF  }
0x96: {  	s17 =	sld [smem:$0x11];
	(tm) =	ssettm $0x1  }
0x97: {  	s18 =	sld [smem:$0x3FFB];
	_ =	sdelay $0x3  }
0x98: {  	_ =	strace s18  }
0x99: {  	s4 =	sld [smem:$0x3FFC];
	_ =	sdelay $0x3  }
0x9a: {  	_ =	strace s4  }
0x9b: {  	s4 =	sld [smem:$0x3FFD];
	_ =	sdelay $0x3  }
0x9c: {  	_ =	strace s4  }
0x9d: {  	_ =	strace $0x8FFFFFFF  }
0x9e: {  	s19 =	sld [smem:$0x3FDB];
	_ =	sdelay $0x1  }
0x9f: {  	s5 =	simm.s32 $_scs_section_size  }
0xa0: {  	s6 =	simm.s32 $_size__tile_overlayer_lowered;
	s7 =	simm.s32 $_tile_overlayer_lowered  }
0xa1: {  	s22 =	simm.s32 $0x1BFF;
	s21 =	sshll.u32 s7, $0x1;
	s4 =	sadd.s32 s5, s19  }
0xa2: {  	s8 =	simm.s32 $0x0;
	s20 =	sshll.u32 s6, $0x1;
	s6 =	sadd.s32 s21, s4  }
0xa3: {  	[timem:s8], [sflag:s22] =	dma.local [hbm:s6], s20  }
0xa4: {  	_ =	swait.ge [sflag:s22], s20  }
0xa5: {  	s5 =	ssub.s32 $0x0, s20;
	[sflag:s22] =	ssyncset.done $0x0  }
0xa6: {  	[sflag:s22] =	ssyncadd.s32 s5;
	_ =	sdelay $0x1  }
0xa7: {  	s23 =	simm.s32 $0x1B8B  }
0xa8: {  	_ =	swait.ge [sflag:s23], $0x1  }
0xa9: {  	[sflag:s23] =	ssyncset.done $0x0  }
0xaa: {  	s25 =	simm.s32 $0x1B8E;
	s24 =	sld [smem:$0x3FFE];
	[sflag:s23] =	ssyncadd.s32 $0xFFFFFFFF  }
0xab: {  	s26 =	simm.s32 $execute0_lowered;
	[smem:$0x3FD2] =	sst s25  }
0xac: {  	s6 =	sshll.u32 s26, $0x1;
	_ =	strace $0x80000046;
	[dreg:$0x1] =	wrdreg $0xFFFFFFFF  }
0xad: {  	s28 =	simm.s32 $_size_execute0_lowered;
	s4 =	sadd.s32 s4, s6;
	[dreg:$0x0] =	wrdreg $0x0  }
0xae: {  	s6 =	sshll.u32 s28, $0x1;
	[dreg:$0x2] =	wrdreg s4  }
0xaf: {  	[dreg:$0x3] =	wrdreg s6  }
0xb0: {  	[dreg:$0x4] =	wrdreg $0xC0  }
0xb1: {  	_ =	task [dreg:s8], $0x5FFFF  }
0xb2: {  	[dreg:$0x1] =	wrdreg $0xFFFFFFFF  }
0xb3: {  	[dreg:$0x0] =	wrdreg $0x60  }
0xb4: {  	[dreg:$0x2] =	wrdreg s24  }
0xb5: {  	[dreg:$0x3] =	wrdreg s16  }
0xb6: {  	[dreg:$0x4] =	wrdreg s17  }
0xb7: {  	[dreg:$0x5] =	wrdreg $0x7B200  }
0xb8: {  	[dreg:$0x6] =	wrdreg $0x9  }
0xb9: {  	_ =	task.clear_ibuf [dreg:s8], $0x7FFFF;
	_ =	strace $0x90000046  }
0xba: {  	s29 =	simm.s32 $0x9;
	_ =	strace $0x80000048  }
0xbb: {  	_ =	swait.ge [sflag:s29], $0x1  }
0xbc: {  	[sflag:s29] =	ssyncadd.s32 $0xFFFFFFFF  }
0xbd: {  	_ =	strace $0x90000048  }
0xbe: {  	_ =	sfence  }
0xbf: {  	s30 =	sld [smem:$0x0];
	_ =	sdelay $0x2  }
0xc0: {  	s31 =	sshll.u32 s1, $0xD;
	s1 =	sshrl.u32 s1, $0x2  }
0xc1: {  	s3 =	sand.u32 $0x4000, s31;
	s1 =	sadd.s32 s1, s30  }
0xc2: {  	s0 =	sor.u32 s3, s0;
	s1 =	sshll.u32 s1, $0x11  }
0xc3: {  	s0 =	sor.u32 s1, s0  }
0xc4: {  	s0 =	sadd.s32 $0x8F2B, s0  }
0xc5: {  	[sflag:s0] =	ssyncadd.remote.s32 $0x1  }
0xc6: {  	_ =	sfence.sel $0xFFFF  }
0xc7: {  	[dreg:$0x0] =	wrdreg $0xFFFFFFFF;
	(pc) =	sbr.abs _section_cstart, $3  }
0xc8: {  	[dreg:$0x1] =	wrdreg $0xFFFFFFFF  }
0xc9: {  	_ =	task.clear_ibuf [dreg:s8], $0x2FFFF;
	_ =	strace $0x9FFFFFFF  }
0xca: {  	(tm) =	ssettm $0x7FFFFFFF  }
0xcb: {  	_ =	shalt  }
tec
execute0_lowered:
.L_overlay_start_1:
0x0: {  	(tag) =	ssettag $0x1  }
0x1: {  	s5 =	rddreg [dreg:$0x0]  }
0x2: {  	s7 =	rddreg [dreg:$0x1]  }
0x3: {  	s8 =	rddreg [dreg:$0x2]  }
0x4: {  	s2 =	rddreg [dreg:$0x3];
	s0 =	stileid.u32  }
0x5: {  	s4 =	srdreg.scid;
	s1 =	rddreg [dreg:$0x4]  }
0x6: {  	s3 =	simm.s32 $0x0;
	s14 =	simm.s32 $0x50;
	s15 =	simm.s32 $0x4E20  }
0x7: {  	s16 =	simm.s32 $0x1;
	s17 =	simm.s32 $0x0;
	s6 =	smul.u32 $0x15F90, s0  }
0x8: {  	s9 =	sand.u32 $0x1, s4;
	[smem:$0x7FF] =	sst s3;
	s4 =	sadd.s32 $0x1C00, s5  }
0x9: {  	s31 =	sshll.u32 s0, $0x6;
	s11 =	smul.u32 $0x15F900, s9;
	_ =	strace $0x80000047  }
0xa: {  	s12 =	ssub.s32 $0x2, s9;
	s9 =	sshll.u32 s9, $0x4;
	s10 =	sshrl.u32 s6, $0x3  }
0xb: {  	s13 =	sshrl.u32 s12, $0x1;
	s9 =	sor.u32 s0, s9;
	s30 =	sadd.s32 s6, s2  }
0xc: {  	s10 =	sadd.s32 s10, s5;
	s11 =	sadd.s32 s6, s11;
	s12 =	ssub.s32 s12, s13  }
0xd: {  	s9 =	smul.u32 $0x4E2, s9;
	s6 =	sor.u32 $0x1C02, s31;
	s11 =	sshrl.u32 s11, $0x3  }
0xe: {  	s13 =	simm.s32 $0x2710;
	s11 =	sadd.s32 s11, s5;
	s5 =	sadd.s32 $0x2DC00, s10  }
0xf: {  	s7 =	sadd.s32 s7, s9;
	s8 =	sadd.s32 s8, s9;
	s10 =	smax.u32 s12, $0x1  }
0x10: {  	s12 =	simm.s32 $0x2;
	s9 =	sadd.s32 $0x59C00, s11;
	s11 =	sshrl.u32 s30, $0x3  }
.LBB2_1:
0x11: {  	[spmem:s11], [sflag:s6] =	dma.local [hbm:s5], $0x2BF2  }
0x12: {  	_ =	swait.ge [sflag:s12], $0x2BF2  }
0x13: {  	[sflag:s12] =	ssyncset.done $0x0  }
0x14: {  	[sflag:s12] =	ssyncadd.s32 $0xFFFFD40E  }
0x15: {  	[tilespmem:s3], [sflag:$0x2] =	stream.linear.gather [hbm4b:s7+s3], $0x2710, $0x38;
	[tilespmem:$0x1DAB0] =	vst v63  }
0x16: {  	_ =	swait.ge [sflag:s12], $0x2710  }
0x17: {  	[sflag:s12] =	ssyncset.done $0x0  }
0x18: {  	[sflag:s12] =	ssyncadd.s32 $0xFFFFD8F0  }
0x19: {  	[tilespmem:s13], [sflag:$0x2] =	stream.linear.gather [hbm4b:s8+s3], $0x2710, $0x38;
	[tilespmem:$0x1DAB0] =	vst v63  }
0x1a: {  	_ =	swait.ge [sflag:s12], $0x2710  }
0x1b: {  	[sflag:s12] =	ssyncset.done $0x0  }
0x1c: {  	[sflag:s12] =	ssyncadd.s32 $0xFFFFD8F0  }
0x1d: {  	s18 =	simm.s32 $0x0;
	[bflag:$0x0] =	sbarrier.arrive $0xFFFF  }
0x1e: {  	[tilespmem:s15], [sflag:$0x1] =	stream.indirect.gather [hbm4b:s4+s14], $0x90, s18, s14, $0xb8;
	[tilespmem:$0x1DAB0] =	vst v63  }
0x1f: {  	_ =	swait.ge [sflag:s16], $0x2D00  }
0x20: {  	[sflag:s16] =	ssyncset.done $0x0  }
0x21: {  	s31 =	simm.s32 $0x2710;
	[sflag:s16] =	ssyncadd.s32 $0xFFFFD300  }
0x22: {  	[spmem:s2] =	stream.indirect.scatter.add.f32 [tilespmem:s15], [sflag:$0x2], $0x90, s31, s14, $0xb8;
	[tilespmem:$0x1DAB0] =	vst v63  }
0x23: {  	_ =	swait.ge [sflag:s12], $0x2D00  }
0x24: {  	s19 =	simm.s32 $0x280;
	s18 =	simm.s32 $0x140;
	[sflag:s12] =	ssyncset.done $0x0  }
.LBB2_2:
0x25: {  	s20 =	sshra.s32 s18, $0x2  }
0x26: {  	[sflag:s12] =	ssyncadd.s32 $0xFFFFD300;
	s18 =	smov.u32 s19;
	s21 =	sadd.s32 $0x140, s19  }
0x27: {  	[tilespmem:s15], [sflag:$0x1] =	stream.indirect.gather [hbm4b:s4+s14], $0x90, s20, s14, $0xb8;
	[tilespmem:$0x1DAB0] =	vst v63  }
0x28: {  	p0 =	sne.s32 s19, $0x9B00;
	_ =	swait.ge [sflag:s16], $0x2D00  }
.Ltmp0:
0x29: {  	[sflag:s16] =	ssyncset.done $0x0;
	(pc) =	sbr.rel @p0 .LBB2_2-.Ltmp0, $4  }
0x2a: {  	s19 =	sadd.s32 $0x2710, s20;
	[sflag:s16] =	ssyncadd.s32 $0xFFFFD300  }
0x2b: {  	[spmem:s2] =	stream.indirect.scatter.add.f32 [tilespmem:s15], [sflag:$0x2], $0x90, s19, s14, $0xb8;
	[tilespmem:$0x1DAB0] =	vst v63  }
0x2c: {  	_ =	swait.ge [sflag:s12], $0x2D00  }
0x2d: {  	s19 =	smov.u32 s21;
	[sflag:s12] =	ssyncset.done $0x0  }
0x2e: {  	s18 =	sshra.s32 s18, $0x2;
	[sflag:s12] =	ssyncadd.s32 $0xFFFFD300  }
0x2f: {  	[tilespmem:s15], [sflag:$0x1] =	stream.indirect.gather [hbm4b:s4+s14], $0x90, s18, s14, $0xb8;
	[tilespmem:$0x1DAB0] =	vst v63  }
0x30: {  	_ =	swait.ge [sflag:s16], $0x2D00  }
0x31: {  	[sflag:s16] =	ssyncset.done $0x0  }
0x32: {  	s18 =	sadd.s32 $0x2710, s18;
	[sflag:s16] =	ssyncadd.s32 $0xFFFFD300  }
0x33: {  	[spmem:s2] =	stream.indirect.scatter.add.f32 [tilespmem:s15], [sflag:$0x2], $0x90, s18, s14, $0xb8;
	[tilespmem:$0x1DAB0] =	vst v63  }
0x34: {  	_ =	swait.ge [sflag:s12], $0x2D00  }
0x35: {  	s17 =	sadd.s32 $0x1, s17;
	[sflag:s12] =	ssyncset.done $0x0  }
0x36: {  	p0 =	sne.s32 s17, s10;
	[sflag:s12] =	ssyncadd.s32 $0xFFFFD300  }
.Ltmp1:
0x37: {  	[bflag:$0x0] =	sbarrier.arrive $0xFFFF;
	(pc) =	sbr.rel @p0 .LBB2_1-.Ltmp1, $4  }
0x38: {  	[hbm:s9], [sflag:s6] =	dma.local [spmem:s11], $0x2BF2  }
0x39: {  	_ =	swait.ge [sflag:s12], $0x2BF2  }
0x3a: {  	[sflag:s12] =	ssyncset.done $0x0  }
0x3b: {  	[sflag:s12] =	ssyncadd.s32 $0xFFFFD40E  }
0x3c: {  	_ =	sfence.sel $0x180000  }
0x3d: {  	[bflag:$0x0] =	sbarrier.arrive $0xFFFF  }
0x3e: {  	p0 =	sne.s32 s0, $0x0;
	_ =	strace $0x90000047  }
0x3f: {  	s0 =	sadd.s32 @!p0 $0x100000, s1;
	[bflag:$0x2] =	sbarrier.arrive $0xFFFF  }
0x40: {  	[sflag:s0] =	ssyncadd.tile.s32 @!p0 $0x1;
	_ =	shalt  }
.Lfunc_end2:
_tile_overlayer_lowered:
.L_overlay_start_2:
0x41: {  	(tag) =	ssettag $0x2  }
0x42: {  	s0 =	rddreg [dreg:$0x0];
	s2 =	stileid.u32  }
0x43: {  	s1 =	rddreg [dreg:$0x1];
	p0 =	sne.s32 s2, $0x0  }
0x44: {  	s3 =	rddreg [dreg:$0x2];
	[bflag:$0x3] =	sbarrier.arrive $0xFFFF;
	s2 =	simm.s32 @!p0 $0x1C02  }
0x45: {  	[timem:s3], [sflag:s2] =	dma.local @!p0 [hbm:s0], s1  }
0x46: {  	s0 =	simm.s32 @!p0 $0x2  }
0x47: {  	_ =	swait.ge @!p0 [sflag:s0], s1  }
0x48: {  	s1 =	ssub.s32 @!p0 $0x0, s1;
	[sflag:s0] =	ssyncset.done @!p0 $0x0  }
0x49: {  	[sflag:s0] =	ssyncadd.s32 @!p0 s1  }
0x4a: {  	[bflag:$0x3] =	sbarrier.arrive $0xFFFF  }
0x4b: {  	_ =	shalt  }

// kernel: kernel.9.cloned.1.call-start
scs
__scs_entry_jumppad:
0x0: {  	(pc) =	sbr.rel $0x88, $3  }
0x1: {  	(tag) =	ssettag $0x0;
	lr =	simm.s32 $0x1  }
0x2: {  	[smem:$0x3F8D] =	sst lr;
	_ =	strace $0xD0000000  }
0x3: {  	_ = 	snop  }
0x4: {  	_ = 	snop  }
0x5: {  	_ = 	snop  }
0x6: {  	_ = 	snop  }
0x7: {  	_ = 	snop  }
__scs_overlays_trampoline_lowered:
0x8: {  	[smem:$0x3F9C] =	sst s0  }
0x9: {  	[smem:$0x3F9D] =	sst s1  }
0xa: {  	[smem:$0x3F9E] =	sst s2  }
0xb: {  	[smem:$0x3F9F] =	sst s3  }
0xc: {  	[smem:$0x3FA0] =	sst s4  }
0xd: {  	[smem:$0x3FA1] =	sst s5  }
0xe: {  	[smem:$0x3FA2] =	sst s6  }
0xf: {  	[smem:$0x3FA3] =	sst s7  }
0x10: {  	[smem:$0x3FA4] =	sst s8  }
0x11: {  	[smem:$0x3FA5] =	sst s9;
	s0 =	simm.s32 @!p0 $0x0  }
0x12: {  	s1 =	sld [smem:$0x3F8B];
	s0 =	simm.s32 @p0 $0x1  }
0x13: {  	[smem:$0x3FA6] =	sst s0;
	s0 =	simm.s32 @!p1 $0x0  }
0x14: {  	s2 =	sld [smem:$0x3F8A];
	s0 =	simm.s32 @p1 $0x1  }
0x15: {  	[smem:$0x3FA7] =	sst s0;
	s0 =	simm.s32 @!p2 $0x0  }
0x16: {  	s3 =	sld [smem:$0x3FDB];
	s0 =	simm.s32 @p2 $0x1  }
0x17: {  	s4 =	simm.s32 $0x1BF5;
	[smem:$0x3FA9] =	sst s0  }
0x18: {  	s0 =	sld [smem:$0x3F8C];
	_ =	swait.ge [sflag:s4], $0x0  }
0x19: {  	s7 =	sld [smem:$0x3F8D]  }
0x1a: {  	s8 =	sadd.s32 $0xFFFFE003, lr  }
0x1b: {  	s9 =	sadd.s32 $0xFFFFFEF7, lr;
	s5 =	simm.s32 $0xFFFFFFFF;
	p2 =	slt.u32 s8, $0xFFFFF086  }
0x1c: {  	p1 =	slt.u32 s9, $0xF7A;
	s5 =	simm.s32 @!p2 $0x0  }
0x1d: {  	s5 =	simm.s32 @p1 $0x1;
	p0 =	seq.s32 s7, s2  }
0x1e: {  	s7 =	smul.u32 @!p0 $0xF7A, s2;
	p2 =	seq.s32 @!p0 s5, $0x0  }
0x1f: {  	s9 =	smul.u32 $0xF7A, s1;
	s8 =	simm.s32 @!p0 $0x1BF5;
	p2 =	por !p2, p0  }
0x20: {  	[sflag:s8] =	ssyncset.s32 @!p0 $0xFFFFF086;
	s6 =	sadd.s32 @!p0 s3, s7;
	s7 =	simm.s32 @!p0 $0x108  }
0x21: {  	s3 =	sadd.s32 s3, s9;
	s6 =	sadd.s32 @!p0 $0x88, s6;
	s7 =	simm.s32 @p2 $0x1082  }
0x22: {  	[simem:s7], [sflag:s8] =	dma.local @!p0 [hbm:s6], $0xF7A  }
0x23: {  	s9 =	sor.u32 $0xD0000000, s2;
	s6 =	simm.s32 $0x108;
	_ =	swait.ge @!p0 [sflag:s8], $0x0  }
0x24: {  	s3 =	sadd.s32 $0x88, s3;
	s6 =	simm.s32 @!p1 $0x1082;
	[sflag:s4] =	ssyncset.s32 $0xFFFFF086  }
0x25: {  	[simem:s6], [sflag:s4] =	dma.local [hbm:s3], $0xF7A  }
0x26: {  	[smem:$0x3F8D] =	sst s1;
	(tag) =	ssettag s2;
	_ =	strace s9  }
0x27: {  	s1 =	sld [smem:$0x3F9D]  }
0x28: {  	s2 =	sld [smem:$0x3F9E]  }
0x29: {  	s4 =	sld [smem:$0x3FA0]  }
0x2a: {  	p0 =	seq.s32 s5, $0x0;
	s5 =	sld [smem:$0x3FA1]  }
0x2b: {  	s6 =	sld [smem:$0x3FA2]  }
0x2c: {  	s7 =	sld [smem:$0x3FA3]  }
0x2d: {  	s3 =	simm.s32 $0x108;
	s8 =	sld [smem:$0x3FA4]  }
0x2e: {  	s3 =	simm.s32 @!p0 $0x1082;
	s9 =	sld [smem:$0x3FA5]  }
0x2f: {  	lr =	sadd.s32 s0, s3;
	s0 =	sld [smem:$0x3F9C]  }
0x30: {  	s3 =	sld [smem:$0x3F9F]  }
0x31: {  	[smem:$0x3FA8] =	sst s10  }
0x32: {  	s10 =	sld [smem:$0x3FA6];
	_ =	sdelay $0x3  }
0x33: {  	p0 =	seq.s32 s10, $0x1;
	s10 =	sld [smem:$0x3FA8];
	_ =	sdelay $0x3  }
0x34: {  	[smem:$0x3FA8] =	sst s10  }
0x35: {  	s10 =	sld [smem:$0x3FA7];
	_ =	sdelay $0x3  }
0x36: {  	p1 =	seq.s32 s10, $0x1;
	s10 =	sld [smem:$0x3FA8];
	_ =	sdelay $0x3  }
0x37: {  	[smem:$0x3FA8] =	sst s10  }
0x38: {  	s10 =	sld [smem:$0x3FA9]  }
0x39: {  	_ = 	snop;
	(pc) =	sbr.ind lr, $3  }
0x3a: {  	_ = 	snop  }
0x3b: {  	_ = 	snop  }
0x3c: {  	p2 =	seq.s32 s10, $0x1;
	s10 =	sld [smem:$0x3FA8]  }
0x3d: {  	_ =	shalt  }
0x3e: {  	_ =	shalt  }
0x3f: {  	_ =	shalt  }
0x40: {  	_ =	shalt  }
0x41: {  	_ =	shalt  }
0x42: {  	_ =	shalt  }
0x43: {  	_ =	shalt  }
0x44: {  	_ =	shalt  }
0x45: {  	_ =	shalt  }
0x46: {  	_ =	shalt  }
0x47: {  	_ =	shalt  }
0x48: {  	_ =	shalt  }
0x49: {  	_ =	shalt  }
0x4a: {  	_ =	shalt  }
0x4b: {  	_ =	shalt  }
0x4c: {  	_ =	shalt  }
0x4d: {  	_ =	shalt  }
0x4e: {  	_ =	shalt  }
0x4f: {  	_ =	shalt  }
0x50: {  	_ =	shalt  }
0x51: {  	_ =	shalt  }
0x52: {  	_ =	shalt  }
0x53: {  	_ =	shalt  }
0x54: {  	_ =	shalt  }
0x55: {  	_ =	shalt  }
0x56: {  	_ =	shalt  }
0x57: {  	_ =	shalt  }
0x58: {  	_ =	shalt  }
0x59: {  	_ =	shalt  }
0x5a: {  	_ =	shalt  }
0x5b: {  	_ =	shalt  }
0x5c: {  	_ =	shalt  }
0x5d: {  	_ =	shalt  }
0x5e: {  	_ =	shalt  }
0x5f: {  	_ =	shalt  }
0x60: {  	_ =	shalt  }
0x61: {  	_ =	shalt  }
0x62: {  	_ =	shalt  }
0x63: {  	_ =	shalt  }
0x64: {  	_ =	shalt  }
0x65: {  	_ =	shalt  }
0x66: {  	_ =	shalt  }
0x67: {  	_ =	shalt  }
0x68: {  	_ =	shalt  }
0x69: {  	_ =	shalt  }
0x6a: {  	_ =	shalt  }
0x6b: {  	_ =	shalt  }
0x6c: {  	_ =	shalt  }
0x6d: {  	_ =	shalt  }
0x6e: {  	_ =	shalt  }
0x6f: {  	_ =	shalt  }
0x70: {  	_ =	shalt  }
0x71: {  	_ =	shalt  }
0x72: {  	_ =	shalt  }
0x73: {  	_ =	shalt  }
0x74: {  	_ =	shalt  }
0x75: {  	_ =	shalt  }
0x76: {  	_ =	shalt  }
0x77: {  	_ =	shalt  }
0x78: {  	_ =	shalt  }
0x79: {  	_ =	shalt  }
0x7a: {  	_ =	shalt  }
0x7b: {  	_ =	shalt  }
0x7c: {  	_ =	shalt  }
0x7d: {  	_ =	shalt  }
0x7e: {  	_ =	shalt  }
0x7f: {  	_ =	shalt  }
0x80: {  	_ =	shalt  }
0x81: {  	_ =	shalt  }
0x82: {  	_ =	shalt  }
0x83: {  	_ =	shalt  }
0x84: {  	_ =	shalt  }
0x85: {  	_ =	shalt  }
0x86: {  	_ =	shalt  }
0x87: {  	_ =	shalt  }
.Lfunc_end0:
.L_simem_size_0:
called_computation.1_lowered:
.L_overlay_start_0:
0x88: {  	s2 =	sld [smem:$0x3FD9]  }
0x89: {  	s3 =	sld [smem:$0x3FFE];
	_ =	sdelay $0x1  }
0x8a: {  	s1 =	srdreg.scid  }
0x8b: {  	s0 =	sand.u32 $0x1, s1  }
0x8c: {  	s14 =	sshll.u32 s0, $0xA;
	s2 =	sadd.s32 s3, s2  }
0x8d: {  	s2 =	sadd.s32 s2, s14  }
0x8e: {  	[smem:$0x3FB4] =	sst s2  }
0x8f: {  	_ = 	snop  }
0x90: {  	s2 =	sld [smem:$0x3FD0];
	_ =	sdelay $0x2  }
0x91: {  	s15 =	simm.s32 $0xA;
	s4 =	simm.s32 $0x10  }
0x92: {  	[smem:s4], [sflag:s15] =	dma.local [hbm:s2], $0x1  }
0x93: {  	_ =	swait.eq [sflag:s15], $0x1  }
0x94: {  	[sflag:s15] =	ssyncset.done $0x0  }
0x95: {  	s16 =	sld [smem:$0x10];
	[sflag:s15] =	ssyncadd.s32 $0xFFFFFFFF  }
0x96: {  	s17 =	sld [smem:$0x11];
	(tm) =	ssettm $0x1  }
0x97: {  	s18 =	sld [smem:$0x3FFB];
	_ =	sdelay $0x3  }
0x98: {  	_ =	strace s18  }
0x99: {  	s4 =	sld [smem:$0x3FFC];
	_ =	sdelay $0x3  }
0x9a: {  	_ =	strace s4  }
0x9b: {  	s4 =	sld [smem:$0x3FFD];
	_ =	sdelay $0x3  }
0x9c: {  	_ =	strace s4  }
0x9d: {  	_ =	strace $0x8FFFFFFF  }
0x9e: {  	s19 =	sld [smem:$0x3FDB];
	_ =	sdelay $0x1  }
0x9f: {  	s5 =	simm.s32 $_scs_section_size  }
0xa0: {  	s6 =	simm.s32 $_size__tile_overlayer_lowered;
	s7 =	simm.s32 $_tile_overlayer_lowered  }
0xa1: {  	s22 =	simm.s32 $0x1BFF;
	s21 =	sshll.u32 s7, $0x1;
	s4 =	sadd.s32 s5, s19  }
0xa2: {  	s8 =	simm.s32 $0x0;
	s20 =	sshll.u32 s6, $0x1;
	s6 =	sadd.s32 s21, s4  }
0xa3: {  	[timem:s8], [sflag:s22] =	dma.local [hbm:s6], s20  }
0xa4: {  	_ =	swait.ge [sflag:s22], s20  }
0xa5: {  	s5 =	ssub.s32 $0x0, s20;
	[sflag:s22] =	ssyncset.done $0x0  }
0xa6: {  	[sflag:s22] =	ssyncadd.s32 s5;
	_ =	sdelay $0x1  }
0xa7: {  	s23 =	simm.s32 $0x1B8B  }
0xa8: {  	_ =	swait.ge [sflag:s23], $0x1  }
0xa9: {  	[sflag:s23] =	ssyncset.done $0x0  }
0xaa: {  	s25 =	simm.s32 $0x1B8E;
	s24 =	sld [smem:$0x3FFE];
	[sflag:s23] =	ssyncadd.s32 $0xFFFFFFFF  }
0xab: {  	s26 =	simm.s32 $execute0_lowered;
	[smem:$0x3FD2] =	sst s25  }
0xac: {  	s6 =	sshll.u32 s26, $0x1;
	_ =	strace $0x80000049;
	[dreg:$0x1] =	wrdreg $0xFFFFFFFF  }
0xad: {  	s28 =	simm.s32 $_size_execute0_lowered;
	s4 =	sadd.s32 s4, s6;
	[dreg:$0x0] =	wrdreg $0x0  }
0xae: {  	s6 =	sshll.u32 s28, $0x1;
	[dreg:$0x2] =	wrdreg s4  }
0xaf: {  	[dreg:$0x3] =	wrdreg s6  }
0xb0: {  	[dreg:$0x4] =	wrdreg $0xC0  }
0xb1: {  	_ =	task [dreg:s8], $0x5FFFF  }
0xb2: {  	[dreg:$0x1] =	wrdreg $0xFFFFFFFF  }
0xb3: {  	[dreg:$0x0] =	wrdreg $0x60  }
0xb4: {  	[dreg:$0x2] =	wrdreg s24  }
0xb5: {  	[dreg:$0x3] =	wrdreg s16  }
0xb6: {  	[dreg:$0x4] =	wrdreg s17  }
0xb7: {  	[dreg:$0x5] =	wrdreg $0x7DA00  }
0xb8: {  	[dreg:$0x6] =	wrdreg $0x9  }
0xb9: {  	_ =	task.clear_ibuf [dreg:s8], $0x7FFFF;
	_ =	strace $0x90000049  }
0xba: {  	s29 =	simm.s32 $0x9;
	_ =	strace $0x8000004B  }
0xbb: {  	_ =	swait.ge [sflag:s29], $0x1  }
0xbc: {  	[sflag:s29] =	ssyncadd.s32 $0xFFFFFFFF  }
0xbd: {  	_ =	strace $0x9000004B  }
0xbe: {  	_ =	sfence  }
0xbf: {  	s30 =	sld [smem:$0x0];
	_ =	sdelay $0x2  }
0xc0: {  	s31 =	sshll.u32 s1, $0xD;
	s1 =	sshrl.u32 s1, $0x2  }
0xc1: {  	s3 =	sand.u32 $0x4000, s31;
	s1 =	sadd.s32 s1, s30  }
0xc2: {  	s0 =	sor.u32 s3, s0;
	s1 =	sshll.u32 s1, $0x11  }
0xc3: {  	s0 =	sor.u32 s1, s0  }
0xc4: {  	s0 =	sadd.s32 $0x8F2B, s0  }
0xc5: {  	[sflag:s0] =	ssyncadd.remote.s32 $0x1  }
0xc6: {  	_ =	sfence.sel $0xFFFF  }
0xc7: {  	[dreg:$0x0] =	wrdreg $0xFFFFFFFF;
	(pc) =	sbr.abs _section_cstart, $3  }
0xc8: {  	[dreg:$0x1] =	wrdreg $0xFFFFFFFF  }
0xc9: {  	_ =	task.clear_ibuf [dreg:s8], $0x2FFFF;
	_ =	strace $0x9FFFFFFF  }
0xca: {  	(tm) =	ssettm $0x7FFFFFFF  }
0xcb: {  	_ =	shalt  }
tec
execute0_lowered:
.L_overlay_start_1:
0x0: {  	(tag) =	ssettag $0x1  }
0x1: {  	s5 =	rddreg [dreg:$0x0]  }
0x2: {  	s7 =	rddreg [dreg:$0x1]  }
0x3: {  	s8 =	rddreg [dreg:$0x2]  }
0x4: {  	s2 =	rddreg [dreg:$0x3];
	s0 =	stileid.u32  }
0x5: {  	s4 =	srdreg.scid;
	s1 =	rddreg [dreg:$0x4]  }
0x6: {  	s3 =	simm.s32 $0x0;
	s14 =	simm.s32 $0x50;
	s15 =	simm.s32 $0x4E20  }
0x7: {  	s16 =	simm.s32 $0x1;
	s17 =	simm.s32 $0x0;
	s6 =	smul.u32 $0x17318, s0  }
0x8: {  	s9 =	sand.u32 $0x1, s4;
	[smem:$0x7FF] =	sst s3;
	s4 =	sadd.s32 $0x4FE00, s5  }
0x9: {  	s31 =	sshll.u32 s0, $0x6;
	s11 =	smul.u32 $0x173180, s9;
	_ =	strace $0x8000004A  }
0xa: {  	s12 =	ssub.s32 $0x2, s9;
	s9 =	sshll.u32 s9, $0x4;
	s10 =	sshrl.u32 s6, $0x3  }
0xb: {  	s13 =	sshrl.u32 s12, $0x1;
	s9 =	sor.u32 s0, s9;
	s30 =	sadd.s32 s6, s2  }
0xc: {  	s10 =	sadd.s32 s10, s5;
	s11 =	sadd.s32 s6, s11;
	s12 =	ssub.s32 s12, s13  }
0xd: {  	s9 =	smul.u32 $0x4E2, s9;
	s6 =	sor.u32 $0x1C02, s31;
	s11 =	sshrl.u32 s11, $0x3  }
0xe: {  	s13 =	simm.s32 $0x2710;
	s11 =	sadd.s32 s11, s5;
	s5 =	sadd.s32 $0x7E600, s10  }
0xf: {  	s7 =	sadd.s32 s7, s9;
	s8 =	sadd.s32 s8, s9;
	s10 =	smax.u32 s12, $0x1  }
0x10: {  	s12 =	simm.s32 $0x2;
	s9 =	sadd.s32 $0xACE00, s11;
	s11 =	sshrl.u32 s30, $0x3  }
.LBB2_1:
0x11: {  	[spmem:s11], [sflag:s6] =	dma.local [hbm:s5], $0x2E63  }
0x12: {  	_ =	swait.ge [sflag:s12], $0x2E63  }
0x13: {  	[sflag:s12] =	ssyncset.done $0x0  }
0x14: {  	[sflag:s12] =	ssyncadd.s32 $0xFFFFD19D  }
0x15: {  	[tilespmem:s3], [sflag:$0x2] =	stream.linear.gather [hbm4b:s7+s3], $0x2710, $0x38;
	[tilespmem:$0x1F0B8] =	vst v63  }
0x16: {  	_ =	swait.ge [sflag:s12], $0x2710  }
0x17: {  	[sflag:s12] =	ssyncset.done $0x0  }
0x18: {  	[sflag:s12] =	ssyncadd.s32 $0xFFFFD8F0  }
0x19: {  	[tilespmem:s13], [sflag:$0x2] =	stream.linear.gather [hbm4b:s8+s3], $0x2710, $0x38;
	[tilespmem:$0x1F0B8] =	vst v63  }
0x1a: {  	_ =	swait.ge [sflag:s12], $0x2710  }
0x1b: {  	[sflag:s12] =	ssyncset.done $0x0  }
0x1c: {  	[sflag:s12] =	ssyncadd.s32 $0xFFFFD8F0  }
0x1d: {  	s18 =	simm.s32 $0x0;
	[bflag:$0x0] =	sbarrier.arrive $0xFFFF  }
0x1e: {  	[tilespmem:s15], [sflag:$0x1] =	stream.indirect.gather [hbm4b:s4+s14], $0x98, s18, s14, $0xb8;
	[tilespmem:$0x1F0B8] =	vst v63  }
0x1f: {  	_ =	swait.ge [sflag:s16], $0x2F80  }
0x20: {  	[sflag:s16] =	ssyncset.done $0x0  }
0x21: {  	s31 =	simm.s32 $0x2710;
	[sflag:s16] =	ssyncadd.s32 $0xFFFFD080  }
0x22: {  	[spmem:s2] =	stream.indirect.scatter.add.f32 [tilespmem:s15], [sflag:$0x2], $0x98, s31, s14, $0xb8;
	[tilespmem:$0x1F0B8] =	vst v63  }
0x23: {  	_ =	swait.ge [sflag:s12], $0x2F80  }
0x24: {  	s19 =	simm.s32 $0x280;
	s18 =	simm.s32 $0x140;
	[sflag:s12] =	ssyncset.done $0x0  }
.LBB2_2:
0x25: {  	s20 =	sshra.s32 s18, $0x2  }
0x26: {  	[sflag:s12] =	ssyncadd.s32 $0xFFFFD080;
	s18 =	smov.u32 s19;
	s21 =	sadd.s32 $0x140, s19  }
0x27: {  	[tilespmem:s15], [sflag:$0x1] =	stream.indirect.gather [hbm4b:s4+s14], $0x98, s20, s14, $0xb8;
	[tilespmem:$0x1F0B8] =	vst v63  }
0x28: {  	p0 =	sne.s32 s19, $0x9B00;
	_ =	swait.ge [sflag:s16], $0x2F80  }
.Ltmp0:
0x29: {  	[sflag:s16] =	ssyncset.done $0x0;
	(pc) =	sbr.rel @p0 .LBB2_2-.Ltmp0, $4  }
0x2a: {  	s19 =	sadd.s32 $0x2710, s20;
	[sflag:s16] =	ssyncadd.s32 $0xFFFFD080  }
0x2b: {  	[spmem:s2] =	stream.indirect.scatter.add.f32 [tilespmem:s15], [sflag:$0x2], $0x98, s19, s14, $0xb8;
	[tilespmem:$0x1F0B8] =	vst v63  }
0x2c: {  	_ =	swait.ge [sflag:s12], $0x2F80  }
0x2d: {  	s19 =	smov.u32 s21;
	[sflag:s12] =	ssyncset.done $0x0  }
0x2e: {  	s18 =	sshra.s32 s18, $0x2;
	[sflag:s12] =	ssyncadd.s32 $0xFFFFD080  }
0x2f: {  	[tilespmem:s15], [sflag:$0x1] =	stream.indirect.gather [hbm4b:s4+s14], $0x98, s18, s14, $0xb8;
	[tilespmem:$0x1F0B8] =	vst v63  }
0x30: {  	_ =	swait.ge [sflag:s16], $0x2F80  }
0x31: {  	[sflag:s16] =	ssyncset.done $0x0  }
0x32: {  	s18 =	sadd.s32 $0x2710, s18;
	[sflag:s16] =	ssyncadd.s32 $0xFFFFD080  }
0x33: {  	[spmem:s2] =	stream.indirect.scatter.add.f32 [tilespmem:s15], [sflag:$0x2], $0x98, s18, s14, $0xb8;
	[tilespmem:$0x1F0B8] =	vst v63  }
0x34: {  	_ =	swait.ge [sflag:s12], $0x2F80  }
0x35: {  	s17 =	sadd.s32 $0x1, s17;
	[sflag:s12] =	ssyncset.done $0x0  }
0x36: {  	p0 =	sne.s32 s17, s10;
	[sflag:s12] =	ssyncadd.s32 $0xFFFFD080  }
.Ltmp1:
0x37: {  	[bflag:$0x0] =	sbarrier.arrive $0xFFFF;
	(pc) =	sbr.rel @p0 .LBB2_1-.Ltmp1, $4  }
0x38: {  	[hbm:s9], [sflag:s6] =	dma.local [spmem:s11], $0x2E63  }
0x39: {  	_ =	swait.ge [sflag:s12], $0x2E63  }
0x3a: {  	[sflag:s12] =	ssyncset.done $0x0  }
0x3b: {  	[sflag:s12] =	ssyncadd.s32 $0xFFFFD19D  }
0x3c: {  	_ =	sfence.sel $0x180000  }
0x3d: {  	[bflag:$0x0] =	sbarrier.arrive $0xFFFF  }
0x3e: {  	p0 =	sne.s32 s0, $0x0;
	_ =	strace $0x9000004A  }
0x3f: {  	s0 =	sadd.s32 @!p0 $0x100000, s1;
	[bflag:$0x2] =	sbarrier.arrive $0xFFFF  }
0x40: {  	[sflag:s0] =	ssyncadd.tile.s32 @!p0 $0x1;
	_ =	shalt  }
.Lfunc_end2:
_tile_overlayer_lowered:
.L_overlay_start_2:
0x41: {  	(tag) =	ssettag $0x2  }
0x42: {  	s0 =	rddreg [dreg:$0x0];
	s2 =	stileid.u32  }
0x43: {  	s1 =	rddreg [dreg:$0x1];
	p0 =	sne.s32 s2, $0x0  }
0x44: {  	s3 =	rddreg [dreg:$0x2];
	[bflag:$0x3] =	sbarrier.arrive $0xFFFF;
	s2 =	simm.s32 @!p0 $0x1C02  }
0x45: {  	[timem:s3], [sflag:s2] =	dma.local @!p0 [hbm:s0], s1  }
0x46: {  	s0 =	simm.s32 @!p0 $0x2  }
0x47: {  	_ =	swait.ge @!p0 [sflag:s0], s1  }
0x48: {  	s1 =	ssub.s32 @!p0 $0x0, s1;
	[sflag:s0] =	ssyncset.done @!p0 $0x0  }
0x49: {  	[sflag:s0] =	ssyncadd.s32 @!p0 s1  }
0x4a: {  	[bflag:$0x3] =	sbarrier.arrive $0xFFFF  }
0x4b: {  	_ =	shalt  }

</sc_bundles>
